<compile_context>
chip_gen: v7x
topology: tpu7x:2x2x1
jax: 0.10.2.dev20260603
libtpu: 0.0.44.dev20260713+nightly
codegen_flags: <defaults>
</compile_context>

<pallas_src>
import functools

import jax
import jax.numpy as jnp
from jax import lax
from jax.experimental import pallas as pl
from jax.experimental.pallas import tpu as pltpu
from jax.experimental.pallas import tpu_sc as plsc

N = 10000
E = 320000
D = 128
NC = 2
NS = 16
NW = NC * NS
NPAD = 10240
EPT = E // NW
CH = 100
NITER = EPT // CH

DPT = E // NS
DCH = 1000
DNIT = DPT // DCH
DROWS_PT = NPAD // NS

_mesh = plsc.VectorSubcoreMesh(core_axis_name="c", subcore_axis_name="s")
_sc_params = pltpu.CompilerParams(use_tc_tiling_on_sc=False)


def _zero_vmem(ref, nrows, ncols):
    zeros = jnp.zeros((16,), jnp.float32)

    def body(i, _):
        for j in range(ncols // 16):
            ref[i, pl.ds(j * 16, 16)] = zeros
        return 0

    lax.fori_loop(0, nrows, body, 0)


@functools.partial(
    pl.kernel,
    out_type=jax.ShapeDtypeStruct((NC, NPAD, 16), jnp.float32),
    mesh=_mesh,
    scratch_types=[
        pltpu.VMEM_SHARED((NPAD, 16), jnp.float32),
        pltpu.VMEM((DCH, 16), jnp.float32),
        pltpu.VMEM((DROWS_PT, 16), jnp.float32),
        pltpu.VMEM((DNIT, DCH), jnp.int32),
        pltpu.SemaphoreType.DMA,
    ],
    compiler_params=_sc_params,
)
def _deg_kernel(idx_hbm, out_hbm, acc, ones_v, bounce_v, idx_v, sem):
    c = lax.axis_index("c")
    s = lax.axis_index("s")

    pltpu.sync_copy(idx_hbm.at[c, s], idx_v)

    ones = jnp.ones((16,), jnp.float32)

    def fill(i, _):
        ones_v[i, :] = ones
        return 0

    lax.fori_loop(0, DCH, fill, 0)
    _zero_vmem(bounce_v, DROWS_PT, 16)
    pltpu.sync_copy(bounce_v, acc.at[pl.ds(s * DROWS_PT, DROWS_PT)])
    plsc.subcore_barrier()

    def fire(i, _):
        pltpu.async_copy(ones_v, acc.at[idx_v.at[i]], sem, add=True)
        return 0

    lax.fori_loop(0, DNIT, fire, 0)

    def drain(i, _):
        pltpu.make_async_copy(out_hbm.at[c, pl.ds(0, DCH)], ones_v, sem).wait()
        return 0

    lax.fori_loop(0, DNIT, drain, 0)
    plsc.subcore_barrier()

    rb = s * DROWS_PT
    pltpu.sync_copy(acc.at[pl.ds(rb, DROWS_PT)], bounce_v)
    pltpu.sync_copy(bounce_v, out_hbm.at[c, pl.ds(rb, DROWS_PT)])


@functools.partial(
    pl.kernel,
    out_type=jax.ShapeDtypeStruct((NC, NPAD, D), jnp.float32),
    mesh=_mesh,
    scratch_types=[
        pltpu.VMEM_SHARED((NPAD, D), jnp.float32),
        pltpu.VMEM((CH, D), jnp.float32),
        pltpu.VMEM((CH, D), jnp.float32),
        pltpu.VMEM((NITER, CH), jnp.int32),
        pltpu.VMEM((NITER, CH), jnp.int32),
        pltpu.SemaphoreType.DMA,
        pltpu.SemaphoreType.DMA,
    ],
    compiler_params=_sc_params,
)
def _msg_kernel(y_hbm, src_hbm, dst_hbm, out_hbm, acc, rows_a, rows_b,
                sidx_v, didx_v, sem_a, sem_b):
    c = lax.axis_index("c")
    s = lax.axis_index("s")
    wid = s * NC + c

    pltpu.sync_copy(src_hbm.at[wid], sidx_v)
    pltpu.sync_copy(dst_hbm.at[wid], didx_v)

    _zero_vmem(rows_a, 160, D)
    rows_pt = NPAD // NS

    def zstep(k, _):
        pltpu.sync_copy(rows_a.at[pl.ds(0, 160)],
                        acc.at[pl.ds(s * rows_pt + k * 160, 160)])
        return 0

    lax.fori_loop(0, rows_pt // 160, zstep, 0)
    plsc.subcore_barrier()

    pltpu.async_copy(y_hbm.at[sidx_v.at[0]], rows_a, sem_a)

    def step(k, _):
        i0 = 2 * k
        pltpu.async_copy(y_hbm.at[sidx_v.at[i0 + 1]], rows_b, sem_b)
        pltpu.make_async_copy(y_hbm.at[sidx_v.at[i0]], rows_a, sem_a).wait()
        pltpu.sync_copy(rows_a, acc.at[didx_v.at[i0]], add=True)
        pltpu.async_copy(y_hbm.at[sidx_v.at[i0 + 2]], rows_a, sem_a)
        pltpu.make_async_copy(y_hbm.at[sidx_v.at[i0 + 1]], rows_b, sem_b).wait()
        pltpu.sync_copy(rows_b, acc.at[didx_v.at[i0 + 1]], add=True)
        return 0

    lax.fori_loop(0, NITER // 2 - 1, step, 0)

    t0 = NITER - 2
    pltpu.async_copy(y_hbm.at[sidx_v.at[t0 + 1]], rows_b, sem_b)
    pltpu.make_async_copy(y_hbm.at[sidx_v.at[t0]], rows_a, sem_a).wait()
    pltpu.sync_copy(rows_a, acc.at[didx_v.at[t0]], add=True)
    pltpu.make_async_copy(y_hbm.at[sidx_v.at[t0 + 1]], rows_b, sem_b).wait()
    pltpu.sync_copy(rows_b, acc.at[didx_v.at[t0 + 1]], add=True)
    plsc.subcore_barrier()

    def wstep(k, _):
        rb = pl.multiple_of(s * rows_pt + k * 160, 8)
        pltpu.sync_copy(acc.at[pl.ds(rb, 160)], rows_a.at[pl.ds(0, 160)])
        pltpu.sync_copy(rows_a.at[pl.ds(0, 160)], out_hbm.at[c, pl.ds(rb, 160)])
        return 0

    lax.fori_loop(0, rows_pt // 160, wstep, 0)


def _norms(degp_ref):
    dego = degp_ref[0, :, 0:1]
    degi = degp_ref[1, :, 0:1]
    ns = jnp.where(dego > 0, lax.rsqrt(jnp.maximum(dego, 1.0)), 0.0)
    nd = jnp.where(degi > 0, lax.rsqrt(jnp.maximum(degi, 1.0)), 0.0)
    return ns, nd


def _tc_pre_body(degp_ref, x_ref, w_ref, y_ref):
    ns, _ = _norms(degp_ref)
    xp = jnp.pad(x_ref[...], ((0, NPAD - N), (0, 0)))
    y_ref[...] = jnp.dot(xp * ns, w_ref[...],
                         preferred_element_type=jnp.float32)


def _tc_mid_body(degp_ref, p_ref, b_ref, w_ref, y_ref):
    ns, nd = _norms(degp_ref)
    h = jnp.maximum(nd * (p_ref[0] + p_ref[1]) + b_ref[...], 0.0)
    y_ref[...] = jnp.dot(h * ns, w_ref[...], preferred_element_type=jnp.float32)


def _tc_post_body(degp_ref, p_ref, b_ref, wc_ref, bc_ref, o_ref):
    _, nd = _norms(degp_ref)
    h = jnp.maximum(nd * (p_ref[0] + p_ref[1]) + b_ref[...], 0.0)
    rows = lax.broadcasted_iota(jnp.int32, (NPAD, 1), 0)
    h = jnp.where(rows < N, h, 0.0)
    hg = jnp.sum(h, axis=0, keepdims=True) * (1.0 / N)
    o_ref[...] = jnp.dot(hg, wc_ref[...],
                         preferred_element_type=jnp.float32) + bc_ref[...]


def _tc_pre(degp, x, w1):
    return pl.pallas_call(
        _tc_pre_body,
        out_shape=jax.ShapeDtypeStruct((NPAD, D), jnp.float32),
    )(degp, x, w1)


def _tc_mid(degp, p, b1, w2):
    return pl.pallas_call(
        _tc_mid_body,
        out_shape=jax.ShapeDtypeStruct((NPAD, D), jnp.float32),
    )(degp, p, b1, w2)


def _tc_post(degp, p, b2, wc, bc):
    return pl.pallas_call(
        _tc_post_body,
        out_shape=jax.ShapeDtypeStruct((1, 10), jnp.float32),
    )(degp, p, b2, wc, bc)


def kernel(feat, edge_index, W1, b1, W2, b2, Wc, bc):
    src = edge_index[0]
    dst = edge_index[1]
    deg_idx = jnp.stack([src, dst]).reshape(NC, NS, DNIT, DCH)
    src3 = src.reshape(NW, NITER, CH)
    dst3 = dst.reshape(NW, NITER, CH)

    degp = _deg_kernel(deg_idx)
    y1 = _tc_pre(degp, feat, W1)
    p1 = _msg_kernel(y1, src3, dst3)
    y2 = _tc_mid(degp, p1, b1.reshape(1, D), W2)
    p2 = _msg_kernel(y2, src3, dst3)
    return _tc_post(degp, p2, b2.reshape(1, D), Wc, bc.reshape(1, 10))

# --- scband reference (transcript-rebuilt; emitter-appended) ---
"""Pipeline reference for scband-classifier-88476326298352 (READ-ONLY COPY).

The authoritative reference and input builder live on the scoring server;
editing this copy changes nothing except your own understanding.
"""

import jax, jax.numpy as jnp
import numpy as np

N_NODES = 10000
N_EDGES = 320000
D_FEAT = 128
HIDDEN = 128
N_CLASSES = 10


def setup_inputs(seed: int = 0) -> dict:
    key = jax.random.key(seed)
    ks = jax.random.split(key, 8)
    feat = jax.random.normal(ks[0], (N_NODES, D_FEAT), dtype=jnp.float32)
    edge_index = jax.random.randint(ks[1], (2, N_EDGES), 0, N_NODES, dtype=jnp.int32)
    W1 = jax.random.normal(ks[2], (D_FEAT, HIDDEN), dtype=jnp.float32) * (1.0 / np.sqrt(D_FEAT))
    b1 = jnp.zeros((HIDDEN,), dtype=jnp.float32)
    W2 = jax.random.normal(ks[3], (HIDDEN, HIDDEN), dtype=jnp.float32) * (1.0 / np.sqrt(HIDDEN))
    b2 = jnp.zeros((HIDDEN,), dtype=jnp.float32)
    Wc = jax.random.normal(ks[4], (HIDDEN, N_CLASSES), dtype=jnp.float32) * (1.0 / np.sqrt(HIDDEN))
    bc = jnp.zeros((N_CLASSES,), dtype=jnp.float32)
    return {"feat": feat, "edge_index": edge_index, "W1": W1, "b1": b1, "W2": W2, "b2": b2, "Wc": Wc, "bc": bc}


def _graph_conv(x, src, dst, W, b, n_nodes):
    # DGL GraphConv with norm='both': D_dst^{-1/2} A D_src^{-1/2} X W + b
    ones = jnp.ones(src.shape[0], dtype=x.dtype)
    deg_out = jax.ops.segment_sum(ones, src, num_segments=n_nodes)
    deg_in = jax.ops.segment_sum(ones, dst, num_segments=n_nodes)
    norm_s = jnp.where(deg_out > 0, jax.lax.rsqrt(jnp.maximum(deg_out, 1.0)), 0.0)
    norm_d = jnp.where(deg_in > 0, jax.lax.rsqrt(jnp.maximum(deg_in, 1.0)), 0.0)
    xs = x * norm_s[:, None]
    msgs = jnp.take(xs, src, axis=0)
    agg = jax.ops.segment_sum(msgs, dst, num_segments=n_nodes)
    h = agg * norm_d[:, None]
    return h @ W + b


def reference(feat, edge_index, W1, b1, W2, b2, Wc, bc):
    n_nodes = feat.shape[0]
    src = edge_index[0]
    dst = edge_index[1]
    h = jax.nn.relu(_graph_conv(feat, src, dst, W1, b1, n_nodes))
    h = jax.nn.relu(_graph_conv(h, src, dst, W2, b2, n_nodes))
    # dgl.mean_nodes over a single graph -> [1, hidden]
    hg = jnp.mean(h, axis=0, keepdims=True)
    return hg @ Wc + bc

if __name__ == "__main__":
    import jax
    _d = setup_inputs()
    print(jax.jit(kernel)(*tuple(_d.values())))

</pallas_src>

<mosaic_0001>
#map = affine_map<(d0, d1) -> (0, 0, 0, 0)>
#map1 = affine_map<(d0, d1) -> (0, 0, 0)>
module attributes {stable_mosaic.version = 14 : i64} {
  func.func @_deg_kernel(%arg0: i32, %arg1: i32, %arg2: memref<2x16x20x1000xi32, #tpu.memory_space<hbm>>, %arg3: memref<2x10240x16xf32, #tpu.memory_space<hbm>>, %arg4: memref<10240x16xf32, #tpu.memory_space<vmem_shared>>, %arg5: memref<1000x16xf32, #tpu.memory_space<vmem>>, %arg6: memref<640x16xf32, #tpu.memory_space<vmem>>, %arg7: memref<20x1000xi32, #tpu.memory_space<vmem>>, %arg8: memref<!tpu.dma_semaphore, #tpu.memory_space<semaphore_mem>>) attributes {dimension_semantics = [#tpu.dimension_semantics<core_parallel>, #tpu.dimension_semantics<subcore_parallel>], iteration_bounds = array<i64: 2, 16>, scalar_prefetch = 0 : i64, scratch_operands = 5 : i64, tpu.core_type = #tpu.core_type<sc_vector_subcore>, window_params = [{transform_indices = #map}, {transform_indices = #map1}]} {
    "tpu.region"() ({
      %run_scoped3A = tpu.sem_alloc : memref<!tpu.dma_semaphore, #tpu.memory_space<semaphore_mem>>
      %dma_start3A = arith.constant 0 : i32
      %dma_start3A_34 = arith.constant 0 : i32
      %dma_start3A_35 = tpu.memref_slice %arg2[%arg0, %arg1, %dma_start3A, %dma_start3A_34] : memref<2x16x20x1000xi32, #tpu.memory_space<hbm>> -> memref<1x1x20x1000xi32, #tpu.memory_space<hbm>>
      %dma_start3A_36 = tpu.memref_squeeze %dma_start3A_35 : memref<1x1x20x1000xi32, #tpu.memory_space<hbm>> -> memref<20x1000xi32, #tpu.memory_space<hbm>>
      %dma_start3A_37 = arith.constant 0 : i32
      %dma_start3A_38 = arith.constant 0 : i32
      %dma_start3A_39 = tpu.memref_slice %arg2[%arg0, %arg1, %dma_start3A_37, %dma_start3A_38] : memref<2x16x20x1000xi32, #tpu.memory_space<hbm>> -> memref<1x1x20x1000xi32, #tpu.memory_space<hbm>>
      %dma_start3A_40 = tpu.memref_squeeze %dma_start3A_39 : memref<1x1x20x1000xi32, #tpu.memory_space<hbm>> -> memref<20x1000xi32, #tpu.memory_space<hbm>>
      tpu.enqueue_dma source(%dma_start3A_40 : memref<20x1000xi32, #tpu.memory_space<hbm>>) target(%arg7 : memref<20x1000xi32, #tpu.memory_space<vmem>>) target_semaphore(%run_scoped3A : memref<!tpu.dma_semaphore, #tpu.memory_space<semaphore_mem>>)
      %dma_wait3A = arith.constant 0 : i32
      %dma_wait3A_41 = arith.constant 0 : i32
      %dma_wait3A_42 = tpu.memref_slice %arg2[%arg0, %arg1, %dma_wait3A, %dma_wait3A_41] : memref<2x16x20x1000xi32, #tpu.memory_space<hbm>> -> memref<1x1x20x1000xi32, #tpu.memory_space<hbm>>
      %dma_wait3A_43 = tpu.memref_squeeze %dma_wait3A_42 : memref<1x1x20x1000xi32, #tpu.memory_space<hbm>> -> memref<20x1000xi32, #tpu.memory_space<hbm>>
      %dma_wait3A_44 = arith.constant 0 : i32
      %dma_wait3A_45 = arith.constant 0 : i32
      %dma_wait3A_46 = tpu.memref_slice %arg2[%arg0, %arg1, %dma_wait3A_44, %dma_wait3A_45] : memref<2x16x20x1000xi32, #tpu.memory_space<hbm>> -> memref<1x1x20x1000xi32, #tpu.memory_space<hbm>>
      %dma_wait3A_47 = tpu.memref_squeeze %dma_wait3A_46 : memref<1x1x20x1000xi32, #tpu.memory_space<hbm>> -> memref<20x1000xi32, #tpu.memory_space<hbm>>
      tpu.wait_dma2 semaphore(%run_scoped3A : memref<!tpu.dma_semaphore, #tpu.memory_space<semaphore_mem>>) src(%dma_wait3A_47 : memref<20x1000xi32, #tpu.memory_space<hbm>>) dst(%arg7 : memref<20x1000xi32, #tpu.memory_space<vmem>>)
      tpu.yield
    }) : () -> ()
    %broadcast_in_dim3A = arith.constant 1.000000e+00 : f32
    %broadcast_in_dim3A_0 = vector.broadcast %broadcast_in_dim3A : f32 to vector<16xf32>
    %scan3A = arith.constant 0 : i32
    %scan3A_1 = arith.constant 0 : i32
    %scan3A_2 = arith.constant 1000 : i32
    %scan3A_3 = arith.addi %scan3A_1, %scan3A_2 : i32
    %scan3A_4 = arith.constant 1 : i32
    %scan3A_5 = scf.for %scan3A_34 = %scan3A_1 to %scan3A_3 step %scan3A_4 iter_args(%scan3A_35 = %scan3A) -> (i32)  : i32 {
      %swap3A = arith.index_cast %scan3A_34 : i32 to index
      %swap3A_36 = arith.constant 0 : index
      %swap3A_37 = tpu.vector_load %arg5[%swap3A, %swap3A_36] {strides = array<i32>} : memref<1000x16xf32, #tpu.memory_space<vmem>>, vector<1x16xf32>,
      %swap3A_38 = vector.shape_cast %swap3A_37 : vector<1x16xf32> to vector<16xf32>
      %swap3A_39 = vector.shape_cast %broadcast_in_dim3A_0 : vector<16xf32> to vector<1x16xf32>
      tpu.vector_store %arg5[%swap3A, %swap3A_36], %swap3A_39 {strides = array<i32>} : memref<1000x16xf32, #tpu.memory_space<vmem>>, vector<1x16xf32>,
      %scan3A_40 = arith.constant 0 : i32
      scf.yield %scan3A_40 : i32
    }
    %scan3A_6 = arith.constant 1000 : i32
    %broadcast_in_dim3A_7 = arith.constant 0.000000e+00 : f32
    %broadcast_in_dim3A_8 = vector.broadcast %broadcast_in_dim3A_7 : f32 to vector<16xf32>
    %scan3A_9 = arith.constant 0 : i32
    %scan3A_10 = arith.constant 0 : i32
    %scan3A_11 = arith.constant 640 : i32
    %scan3A_12 = arith.addi %scan3A_10, %scan3A_11 : i32
    %scan3A_13 = arith.constant 1 : i32
    %scan3A_14 = scf.for %scan3A_34 = %scan3A_10 to %scan3A_12 step %scan3A_13 iter_args(%scan3A_35 = %scan3A_9) -> (i32)  : i32 {
      %swap3A = arith.index_cast %scan3A_34 : i32 to index
      %swap3A_36 = arith.constant 0 : index
      %swap3A_37 = tpu.vector_load %arg6[%swap3A, %swap3A_36] {strides = array<i32>} : memref<640x16xf32, #tpu.memory_space<vmem>>, vector<1x16xf32>,
      %swap3A_38 = vector.shape_cast %swap3A_37 : vector<1x16xf32> to vector<16xf32>
      %swap3A_39 = vector.shape_cast %broadcast_in_dim3A_8 : vector<16xf32> to vector<1x16xf32>
      tpu.vector_store %arg6[%swap3A, %swap3A_36], %swap3A_39 {strides = array<i32>} : memref<640x16xf32, #tpu.memory_space<vmem>>, vector<1x16xf32>,
      %scan3A_40 = arith.constant 0 : i32
      scf.yield %scan3A_40 : i32
    }
    %scan3A_15 = arith.constant 640 : i32
    %mul3A = arith.constant 640 : i32
    %mul3A_16 = arith.muli %arg1, %mul3A : i32
    "tpu.region"() ({
      %run_scoped3A = tpu.sem_alloc : memref<!tpu.dma_semaphore, #tpu.memory_space<semaphore_mem>>
      %dma_start3A = arith.constant 0 : i32
      %dma_start3A_34 = tpu.memref_slice %arg4[%mul3A_16, %dma_start3A] : memref<10240x16xf32, #tpu.memory_space<vmem_shared>> -> memref<640x16xf32, #tpu.memory_space<vmem_shared>>
      %dma_start3A_35 = arith.constant 0 : i32
      %dma_start3A_36 = tpu.memref_slice %arg4[%mul3A_16, %dma_start3A_35] : memref<10240x16xf32, #tpu.memory_space<vmem_shared>> -> memref<640x16xf32, #tpu.memory_space<vmem_shared>>
      tpu.enqueue_dma source(%arg6 : memref<640x16xf32, #tpu.memory_space<vmem>>) target(%dma_start3A_36 : memref<640x16xf32, #tpu.memory_space<vmem_shared>>) target_semaphore(%run_scoped3A : memref<!tpu.dma_semaphore, #tpu.memory_space<semaphore_mem>>)
      %dma_wait3A = arith.constant 0 : i32
      %dma_wait3A_37 = tpu.memref_slice %arg4[%mul3A_16, %dma_wait3A] : memref<10240x16xf32, #tpu.memory_space<vmem_shared>> -> memref<640x16xf32, #tpu.memory_space<vmem_shared>>
      %dma_wait3A_38 = arith.constant 0 : i32
      %dma_wait3A_39 = tpu.memref_slice %arg4[%mul3A_16, %dma_wait3A_38] : memref<10240x16xf32, #tpu.memory_space<vmem_shared>> -> memref<640x16xf32, #tpu.memory_space<vmem_shared>>
      tpu.wait_dma2 semaphore(%run_scoped3A : memref<!tpu.dma_semaphore, #tpu.memory_space<semaphore_mem>>) src(%arg6 : memref<640x16xf32, #tpu.memory_space<vmem>>) dst(%dma_wait3A_39 : memref<640x16xf32, #tpu.memory_space<vmem_shared>>)
      tpu.yield
    }) : () -> ()
    %barrier3A = arith.constant 0 : index
    tpu.barrier barrier_id(%barrier3A)
    %scan3A_17 = arith.constant 0 : i32
    %scan3A_18 = arith.constant 0 : i32
    %scan3A_19 = arith.constant 20 : i32
    %scan3A_20 = arith.addi %scan3A_18, %scan3A_19 : i32
    %scan3A_21 = arith.constant 1 : i32
    %scan3A_22 = scf.for %scan3A_34 = %scan3A_18 to %scan3A_20 step %scan3A_21 iter_args(%scan3A_35 = %scan3A_17) -> (i32)  : i32 {
      %dma_start3A = arith.constant 0 : i32
      %dma_start3A_36 = tpu.memref_slice %arg7[%scan3A_34, %dma_start3A] : memref<20x1000xi32, #tpu.memory_space<vmem>> -> memref<1x1000xi32, #tpu.memory_space<vmem>>
      %dma_start3A_37 = tpu.memref_squeeze %dma_start3A_36 : memref<1x1000xi32, #tpu.memory_space<vmem>> -> memref<1000xi32, #tpu.memory_space<vmem>>
      %dma_start3A_38 = arith.constant 0 : i32
      %dma_start3A_39 = arith.constant 0 : i32
      %dma_start3A_40 = tpu.memref_slice %arg4[%dma_start3A_38, %dma_start3A_39] : memref<10240x16xf32, #tpu.memory_space<vmem_shared>> -> memref<10240x16xf32, #tpu.memory_space<vmem_shared>>
      tpu.enqueue_indirect_dma source(%arg5 : memref<1000x16xf32, #tpu.memory_space<vmem>>) target(%dma_start3A_40 : memref<10240x16xf32, #tpu.memory_space<vmem_shared>>) offsets(%dma_start3A_37 : memref<1000xi32, #tpu.memory_space<vmem>>) semaphore(%arg8 : memref<!tpu.dma_semaphore, #tpu.memory_space<semaphore_mem>>) {add = true}
      %scan3A_41 = arith.constant 0 : i32
      scf.yield %scan3A_41 : i32
    }
    %scan3A_23 = arith.constant 20 : i32
    %scan3A_24 = arith.constant 0 : i32
    %scan3A_25 = arith.constant 0 : i32
    %scan3A_26 = arith.constant 20 : i32
    %scan3A_27 = arith.addi %scan3A_25, %scan3A_26 : i32
    %scan3A_28 = arith.constant 1 : i32
    %scan3A_29 = scf.for %scan3A_34 = %scan3A_25 to %scan3A_27 step %scan3A_28 iter_args(%scan3A_35 = %scan3A_24) -> (i32)  : i32 {
      %dma_wait3A = arith.constant 0 : i32
      %dma_wait3A_36 = arith.constant 0 : i32
      %dma_wait3A_37 = tpu.memref_slice %arg3[%arg0, %dma_wait3A, %dma_wait3A_36] : memref<2x10240x16xf32, #tpu.memory_space<hbm>> -> memref<1x1000x16xf32, #tpu.memory_space<hbm>>
      %dma_wait3A_38 = tpu.memref_squeeze %dma_wait3A_37 : memref<1x1000x16xf32, #tpu.memory_space<hbm>> -> memref<1000x16xf32, #tpu.memory_space<hbm>>
      %dma_wait3A_39 = arith.constant 0 : i32
      %dma_wait3A_40 = arith.constant 0 : i32
      %dma_wait3A_41 = tpu.memref_slice %arg3[%arg0, %dma_wait3A_39, %dma_wait3A_40] : memref<2x10240x16xf32, #tpu.memory_space<hbm>> -> memref<1x1000x16xf32, #tpu.memory_space<hbm>>
      %dma_wait3A_42 = tpu.memref_squeeze %dma_wait3A_41 : memref<1x1000x16xf32, #tpu.memory_space<hbm>> -> memref<1000x16xf32, #tpu.memory_space<hbm>>
      tpu.wait_dma2 semaphore(%arg8 : memref<!tpu.dma_semaphore, #tpu.memory_space<semaphore_mem>>) src(%dma_wait3A_42 : memref<1000x16xf32, #tpu.memory_space<hbm>>) dst(%arg5 : memref<1000x16xf32, #tpu.memory_space<vmem>>)
      %scan3A_43 = arith.constant 0 : i32
      scf.yield %scan3A_43 : i32
    }
    %scan3A_30 = arith.constant 20 : i32
    %barrier3A_31 = arith.constant 0 : index
    tpu.barrier barrier_id(%barrier3A_31)
    %mul3A_32 = arith.constant 640 : i32
    %mul3A_33 = arith.muli %arg1, %mul3A_32 : i32
    "tpu.region"() ({
      %run_scoped3A = tpu.sem_alloc : memref<!tpu.dma_semaphore, #tpu.memory_space<semaphore_mem>>
      %dma_start3A = arith.constant 0 : i32
      %dma_start3A_34 = tpu.memref_slice %arg4[%mul3A_33, %dma_start3A] : memref<10240x16xf32, #tpu.memory_space<vmem_shared>> -> memref<640x16xf32, #tpu.memory_space<vmem_shared>>
      %dma_start3A_35 = arith.constant 0 : i32
      %dma_start3A_36 = tpu.memref_slice %arg4[%mul3A_33, %dma_start3A_35] : memref<10240x16xf32, #tpu.memory_space<vmem_shared>> -> memref<640x16xf32, #tpu.memory_space<vmem_shared>>
      tpu.enqueue_dma source(%dma_start3A_36 : memref<640x16xf32, #tpu.memory_space<vmem_shared>>) target(%arg6 : memref<640x16xf32, #tpu.memory_space<vmem>>) target_semaphore(%run_scoped3A : memref<!tpu.dma_semaphore, #tpu.memory_space<semaphore_mem>>)
      %dma_wait3A = arith.constant 0 : i32
      %dma_wait3A_37 = tpu.memref_slice %arg4[%mul3A_33, %dma_wait3A] : memref<10240x16xf32, #tpu.memory_space<vmem_shared>> -> memref<640x16xf32, #tpu.memory_space<vmem_shared>>
      %dma_wait3A_38 = arith.constant 0 : i32
      %dma_wait3A_39 = tpu.memref_slice %arg4[%mul3A_33, %dma_wait3A_38] : memref<10240x16xf32, #tpu.memory_space<vmem_shared>> -> memref<640x16xf32, #tpu.memory_space<vmem_shared>>
      tpu.wait_dma2 semaphore(%run_scoped3A : memref<!tpu.dma_semaphore, #tpu.memory_space<semaphore_mem>>) src(%dma_wait3A_39 : memref<640x16xf32, #tpu.memory_space<vmem_shared>>) dst(%arg6 : memref<640x16xf32, #tpu.memory_space<vmem>>)
      tpu.yield
    }) : () -> ()
    "tpu.region"() ({
      %run_scoped3A = tpu.sem_alloc : memref<!tpu.dma_semaphore, #tpu.memory_space<semaphore_mem>>
      %dma_start3A = arith.constant 0 : i32
      %dma_start3A_34 = tpu.memref_slice %arg3[%arg0, %mul3A_33, %dma_start3A] : memref<2x10240x16xf32, #tpu.memory_space<hbm>> -> memref<1x640x16xf32, #tpu.memory_space<hbm>>
      %dma_start3A_35 = tpu.memref_squeeze %dma_start3A_34 : memref<1x640x16xf32, #tpu.memory_space<hbm>> -> memref<640x16xf32, #tpu.memory_space<hbm>>
      %dma_start3A_36 = arith.constant 0 : i32
      %dma_start3A_37 = tpu.memref_slice %arg3[%arg0, %mul3A_33, %dma_start3A_36] : memref<2x10240x16xf32, #tpu.memory_space<hbm>> -> memref<1x640x16xf32, #tpu.memory_space<hbm>>
      %dma_start3A_38 = tpu.memref_squeeze %dma_start3A_37 : memref<1x640x16xf32, #tpu.memory_space<hbm>> -> memref<640x16xf32, #tpu.memory_space<hbm>>
      tpu.enqueue_dma source(%arg6 : memref<640x16xf32, #tpu.memory_space<vmem>>) target(%dma_start3A_38 : memref<640x16xf32, #tpu.memory_space<hbm>>) target_semaphore(%run_scoped3A : memref<!tpu.dma_semaphore, #tpu.memory_space<semaphore_mem>>)
      %dma_wait3A = arith.constant 0 : i32
      %dma_wait3A_39 = tpu.memref_slice %arg3[%arg0, %mul3A_33, %dma_wait3A] : memref<2x10240x16xf32, #tpu.memory_space<hbm>> -> memref<1x640x16xf32, #tpu.memory_space<hbm>>
      %dma_wait3A_40 = tpu.memref_squeeze %dma_wait3A_39 : memref<1x640x16xf32, #tpu.memory_space<hbm>> -> memref<640x16xf32, #tpu.memory_space<hbm>>
      %dma_wait3A_41 = arith.constant 0 : i32
      %dma_wait3A_42 = tpu.memref_slice %arg3[%arg0, %mul3A_33, %dma_wait3A_41] : memref<2x10240x16xf32, #tpu.memory_space<hbm>> -> memref<1x640x16xf32, #tpu.memory_space<hbm>>
      %dma_wait3A_43 = tpu.memref_squeeze %dma_wait3A_42 : memref<1x640x16xf32, #tpu.memory_space<hbm>> -> memref<640x16xf32, #tpu.memory_space<hbm>>
      tpu.wait_dma2 semaphore(%run_scoped3A : memref<!tpu.dma_semaphore, #tpu.memory_space<semaphore_mem>>) src(%arg6 : memref<640x16xf32, #tpu.memory_space<vmem>>) dst(%dma_wait3A_43 : memref<640x16xf32, #tpu.memory_space<hbm>>)
      tpu.yield
    }) : () -> ()
    return
  }
}

#map = affine_map<(d0, d1) -> (0, 0)>
#map1 = affine_map<(d0, d1) -> (0, 0, 0)>
module attributes {stable_mosaic.version = 14 : i64} {
  func.func @_msg_kernel(%arg0: i32, %arg1: i32, %arg2: memref<10240x128xf32, #tpu.memory_space<hbm>>, %arg3: memref<32x100x100xi32, #tpu.memory_space<hbm>>, %arg4: memref<32x100x100xi32, #tpu.memory_space<hbm>>, %arg5: memref<2x10240x128xf32, #tpu.memory_space<hbm>>, %arg6: memref<10240x128xf32, #tpu.memory_space<vmem_shared>>, %arg7: memref<100x128xf32, #tpu.memory_space<vmem>>, %arg8: memref<100x128xf32, #tpu.memory_space<vmem>>, %arg9: memref<100x100xi32, #tpu.memory_space<vmem>>, %arg10: memref<100x100xi32, #tpu.memory_space<vmem>>, %arg11: memref<!tpu.dma_semaphore, #tpu.memory_space<semaphore_mem>>, %arg12: memref<!tpu.dma_semaphore, #tpu.memory_space<semaphore_mem>>) attributes {dimension_semantics = [#tpu.dimension_semantics<core_parallel>, #tpu.dimension_semantics<subcore_parallel>], iteration_bounds = array<i64: 2, 16>, scalar_prefetch = 0 : i64, scratch_operands = 7 : i64, tpu.core_type = #tpu.core_type<sc_vector_subcore>, window_params = [{transform_indices = #map}, {transform_indices = #map1}, {transform_indices = #map1}, {transform_indices = #map1}]} {
    %mul3A = arith.constant 2 : i32
    %mul3A_0 = arith.muli %arg1, %mul3A : i32
    %add3A = arith.addi %mul3A_0, %arg0 : i32
    "tpu.region"() ({
      %run_scoped3A_57 = tpu.sem_alloc : memref<!tpu.dma_semaphore, #tpu.memory_space<semaphore_mem>>
      %dma_start3A_58 = arith.constant 0 : i32
      %dma_start3A_59 = arith.constant 0 : i32
      %dma_start3A_60 = tpu.memref_slice %arg3[%add3A, %dma_start3A_58, %dma_start3A_59] : memref<32x100x100xi32, #tpu.memory_space<hbm>> -> memref<1x100x100xi32, #tpu.memory_space<hbm>>
      %dma_start3A_61 = tpu.memref_squeeze %dma_start3A_60 : memref<1x100x100xi32, #tpu.memory_space<hbm>> -> memref<100x100xi32, #tpu.memory_space<hbm>>
      %dma_start3A_62 = arith.constant 0 : i32
      %dma_start3A_63 = arith.constant 0 : i32
      %dma_start3A_64 = tpu.memref_slice %arg3[%add3A, %dma_start3A_62, %dma_start3A_63] : memref<32x100x100xi32, #tpu.memory_space<hbm>> -> memref<1x100x100xi32, #tpu.memory_space<hbm>>
      %dma_start3A_65 = tpu.memref_squeeze %dma_start3A_64 : memref<1x100x100xi32, #tpu.memory_space<hbm>> -> memref<100x100xi32, #tpu.memory_space<hbm>>
      tpu.enqueue_dma source(%dma_start3A_65 : memref<100x100xi32, #tpu.memory_space<hbm>>) target(%arg9 : memref<100x100xi32, #tpu.memory_space<vmem>>) target_semaphore(%run_scoped3A_57 : memref<!tpu.dma_semaphore, #tpu.memory_space<semaphore_mem>>)
      %dma_wait3A_66 = arith.constant 0 : i32
      %dma_wait3A_67 = arith.constant 0 : i32
      %dma_wait3A_68 = tpu.memref_slice %arg3[%add3A, %dma_wait3A_66, %dma_wait3A_67] : memref<32x100x100xi32, #tpu.memory_space<hbm>> -> memref<1x100x100xi32, #tpu.memory_space<hbm>>
      %dma_wait3A_69 = tpu.memref_squeeze %dma_wait3A_68 : memref<1x100x100xi32, #tpu.memory_space<hbm>> -> memref<100x100xi32, #tpu.memory_space<hbm>>
      %dma_wait3A_70 = arith.constant 0 : i32
      %dma_wait3A_71 = arith.constant 0 : i32
      %dma_wait3A_72 = tpu.memref_slice %arg3[%add3A, %dma_wait3A_70, %dma_wait3A_71] : memref<32x100x100xi32, #tpu.memory_space<hbm>> -> memref<1x100x100xi32, #tpu.memory_space<hbm>>
      %dma_wait3A_73 = tpu.memref_squeeze %dma_wait3A_72 : memref<1x100x100xi32, #tpu.memory_space<hbm>> -> memref<100x100xi32, #tpu.memory_space<hbm>>
      tpu.wait_dma2 semaphore(%run_scoped3A_57 : memref<!tpu.dma_semaphore, #tpu.memory_space<semaphore_mem>>) src(%dma_wait3A_73 : memref<100x100xi32, #tpu.memory_space<hbm>>) dst(%arg9 : memref<100x100xi32, #tpu.memory_space<vmem>>)
      tpu.yield
    }) : () -> ()
    "tpu.region"() ({
      %run_scoped3A_57 = tpu.sem_alloc : memref<!tpu.dma_semaphore, #tpu.memory_space<semaphore_mem>>
      %dma_start3A_58 = arith.constant 0 : i32
      %dma_start3A_59 = arith.constant 0 : i32
      %dma_start3A_60 = tpu.memref_slice %arg4[%add3A, %dma_start3A_58, %dma_start3A_59] : memref<32x100x100xi32, #tpu.memory_space<hbm>> -> memref<1x100x100xi32, #tpu.memory_space<hbm>>
      %dma_start3A_61 = tpu.memref_squeeze %dma_start3A_60 : memref<1x100x100xi32, #tpu.memory_space<hbm>> -> memref<100x100xi32, #tpu.memory_space<hbm>>
      %dma_start3A_62 = arith.constant 0 : i32
      %dma_start3A_63 = arith.constant 0 : i32
      %dma_start3A_64 = tpu.memref_slice %arg4[%add3A, %dma_start3A_62, %dma_start3A_63] : memref<32x100x100xi32, #tpu.memory_space<hbm>> -> memref<1x100x100xi32, #tpu.memory_space<hbm>>
      %dma_start3A_65 = tpu.memref_squeeze %dma_start3A_64 : memref<1x100x100xi32, #tpu.memory_space<hbm>> -> memref<100x100xi32, #tpu.memory_space<hbm>>
      tpu.enqueue_dma source(%dma_start3A_65 : memref<100x100xi32, #tpu.memory_space<hbm>>) target(%arg10 : memref<100x100xi32, #tpu.memory_space<vmem>>) target_semaphore(%run_scoped3A_57 : memref<!tpu.dma_semaphore, #tpu.memory_space<semaphore_mem>>)
      %dma_wait3A_66 = arith.constant 0 : i32
      %dma_wait3A_67 = arith.constant 0 : i32
      %dma_wait3A_68 = tpu.memref_slice %arg4[%add3A, %dma_wait3A_66, %dma_wait3A_67] : memref<32x100x100xi32, #tpu.memory_space<hbm>> -> memref<1x100x100xi32, #tpu.memory_space<hbm>>
      %dma_wait3A_69 = tpu.memref_squeeze %dma_wait3A_68 : memref<1x100x100xi32, #tpu.memory_space<hbm>> -> memref<100x100xi32, #tpu.memory_space<hbm>>
      %dma_wait3A_70 = arith.constant 0 : i32
      %dma_wait3A_71 = arith.constant 0 : i32
      %dma_wait3A_72 = tpu.memref_slice %arg4[%add3A, %dma_wait3A_70, %dma_wait3A_71] : memref<32x100x100xi32, #tpu.memory_space<hbm>> -> memref<1x100x100xi32, #tpu.memory_space<hbm>>
      %dma_wait3A_73 = tpu.memref_squeeze %dma_wait3A_72 : memref<1x100x100xi32, #tpu.memory_space<hbm>> -> memref<100x100xi32, #tpu.memory_space<hbm>>
      tpu.wait_dma2 semaphore(%run_scoped3A_57 : memref<!tpu.dma_semaphore, #tpu.memory_space<semaphore_mem>>) src(%dma_wait3A_73 : memref<100x100xi32, #tpu.memory_space<hbm>>) dst(%arg10 : memref<100x100xi32, #tpu.memory_space<vmem>>)
      tpu.yield
    }) : () -> ()
    %broadcast_in_dim3A = arith.constant 0.000000e+00 : f32
    %broadcast_in_dim3A_1 = vector.broadcast %broadcast_in_dim3A : f32 to vector<16xf32>
    %scan3A = arith.constant 0 : i32
    %scan3A_2 = arith.constant 0 : i32
    %scan3A_3 = arith.constant 160 : i32
    %scan3A_4 = arith.addi %scan3A_2, %scan3A_3 : i32
    %scan3A_5 = arith.constant 1 : i32
    %scan3A_6 = scf.for %scan3A_57 = %scan3A_2 to %scan3A_4 step %scan3A_5 iter_args(%scan3A_58 = %scan3A) -> (i32)  : i32 {
      %swap3A = arith.index_cast %scan3A_57 : i32 to index
      %swap3A_59 = arith.constant 0 : index
      %swap3A_60 = tpu.vector_load %arg7[%swap3A, %swap3A_59] {strides = array<i32>} : memref<100x128xf32, #tpu.memory_space<vmem>>, vector<1x16xf32>,
      %swap3A_61 = vector.shape_cast %swap3A_60 : vector<1x16xf32> to vector<16xf32>
      %swap3A_62 = vector.shape_cast %broadcast_in_dim3A_1 : vector<16xf32> to vector<1x16xf32>
      tpu.vector_store %arg7[%swap3A, %swap3A_59], %swap3A_62 {strides = array<i32>} : memref<100x128xf32, #tpu.memory_space<vmem>>, vector<1x16xf32>,
      %swap3A_63 = arith.index_cast %scan3A_57 : i32 to index
      %swap3A_64 = arith.constant 16 : index
      %swap3A_65 = tpu.vector_load %arg7[%swap3A_63, %swap3A_64] {strides = array<i32>} : memref<100x128xf32, #tpu.memory_space<vmem>>, vector<1x16xf32>,
      %swap3A_66 = vector.shape_cast %swap3A_65 : vector<1x16xf32> to vector<16xf32>
      %swap3A_67 = vector.shape_cast %broadcast_in_dim3A_1 : vector<16xf32> to vector<1x16xf32>
      tpu.vector_store %arg7[%swap3A_63, %swap3A_64], %swap3A_67 {strides = array<i32>} : memref<100x128xf32, #tpu.memory_space<vmem>>, vector<1x16xf32>,
      %swap3A_68 = arith.index_cast %scan3A_57 : i32 to index
      %swap3A_69 = arith.constant 32 : index
      %swap3A_70 = tpu.vector_load %arg7[%swap3A_68, %swap3A_69] {strides = array<i32>} : memref<100x128xf32, #tpu.memory_space<vmem>>, vector<1x16xf32>,
      %swap3A_71 = vector.shape_cast %swap3A_70 : vector<1x16xf32> to vector<16xf32>
      %swap3A_72 = vector.shape_cast %broadcast_in_dim3A_1 : vector<16xf32> to vector<1x16xf32>
      tpu.vector_store %arg7[%swap3A_68, %swap3A_69], %swap3A_72 {strides = array<i32>} : memref<100x128xf32, #tpu.memory_space<vmem>>, vector<1x16xf32>,
      %swap3A_73 = arith.index_cast %scan3A_57 : i32 to index
      %swap3A_74 = arith.constant 48 : index
      %swap3A_75 = tpu.vector_load %arg7[%swap3A_73, %swap3A_74] {strides = array<i32>} : memref<100x128xf32, #tpu.memory_space<vmem>>, vector<1x16xf32>,
      %swap3A_76 = vector.shape_cast %swap3A_75 : vector<1x16xf32> to vector<16xf32>
      %swap3A_77 = vector.shape_cast %broadcast_in_dim3A_1 : vector<16xf32> to vector<1x16xf32>
      tpu.vector_store %arg7[%swap3A_73, %swap3A_74], %swap3A_77 {strides = array<i32>} : memref<100x128xf32, #tpu.memory_space<vmem>>, vector<1x16xf32>,
      %swap3A_78 = arith.index_cast %scan3A_57 : i32 to index
      %swap3A_79 = arith.constant 64 : index
      %swap3A_80 = tpu.vector_load %arg7[%swap3A_78, %swap3A_79] {strides = array<i32>} : memref<100x128xf32, #tpu.memory_space<vmem>>, vector<1x16xf32>,
      %swap3A_81 = vector.shape_cast %swap3A_80 : vector<1x16xf32> to vector<16xf32>
      %swap3A_82 = vector.shape_cast %broadcast_in_dim3A_1 : vector<16xf32> to vector<1x16xf32>
      tpu.vector_store %arg7[%swap3A_78, %swap3A_79], %swap3A_82 {strides = array<i32>} : memref<100x128xf32, #tpu.memory_space<vmem>>, vector<1x16xf32>,
      %swap3A_83 = arith.index_cast %scan3A_57 : i32 to index
      %swap3A_84 = arith.constant 80 : index
      %swap3A_85 = tpu.vector_load %arg7[%swap3A_83, %swap3A_84] {strides = array<i32>} : memref<100x128xf32, #tpu.memory_space<vmem>>, vector<1x16xf32>,
      %swap3A_86 = vector.shape_cast %swap3A_85 : vector<1x16xf32> to vector<16xf32>
      %swap3A_87 = vector.shape_cast %broadcast_in_dim3A_1 : vector<16xf32> to vector<1x16xf32>
      tpu.vector_store %arg7[%swap3A_83, %swap3A_84], %swap3A_87 {strides = array<i32>} : memref<100x128xf32, #tpu.memory_space<vmem>>, vector<1x16xf32>,
      %swap3A_88 = arith.index_cast %scan3A_57 : i32 to index
      %swap3A_89 = arith.constant 96 : index
      %swap3A_90 = tpu.vector_load %arg7[%swap3A_88, %swap3A_89] {strides = array<i32>} : memref<100x128xf32, #tpu.memory_space<vmem>>, vector<1x16xf32>,
      %swap3A_91 = vector.shape_cast %swap3A_90 : vector<1x16xf32> to vector<16xf32>
      %swap3A_92 = vector.shape_cast %broadcast_in_dim3A_1 : vector<16xf32> to vector<1x16xf32>
      tpu.vector_store %arg7[%swap3A_88, %swap3A_89], %swap3A_92 {strides = array<i32>} : memref<100x128xf32, #tpu.memory_space<vmem>>, vector<1x16xf32>,
      %swap3A_93 = arith.index_cast %scan3A_57 : i32 to index
      %swap3A_94 = arith.constant 112 : index
      %swap3A_95 = tpu.vector_load %arg7[%swap3A_93, %swap3A_94] {strides = array<i32>} : memref<100x128xf32, #tpu.memory_space<vmem>>, vector<1x16xf32>,
      %swap3A_96 = vector.shape_cast %swap3A_95 : vector<1x16xf32> to vector<16xf32>
      %swap3A_97 = vector.shape_cast %broadcast_in_dim3A_1 : vector<16xf32> to vector<1x16xf32>
      tpu.vector_store %arg7[%swap3A_93, %swap3A_94], %swap3A_97 {strides = array<i32>} : memref<100x128xf32, #tpu.memory_space<vmem>>, vector<1x16xf32>,
      %scan3A_98 = arith.constant 0 : i32
      scf.yield %scan3A_98 : i32
    }
    %scan3A_7 = arith.constant 160 : i32
    %scan3A_8 = arith.constant 0 : i32
    %scan3A_9 = arith.constant 0 : i32
    %scan3A_10 = arith.constant 4 : i32
    %scan3A_11 = arith.addi %scan3A_9, %scan3A_10 : i32
    %scan3A_12 = arith.constant 1 : i32
    %scan3A_13 = scf.for %scan3A_57 = %scan3A_9 to %scan3A_11 step %scan3A_12 iter_args(%scan3A_58 = %scan3A_8) -> (i32)  : i32 {
      %mul3A_59 = arith.constant 640 : i32
      %mul3A_60 = arith.muli %arg1, %mul3A_59 : i32
      %mul3A_61 = arith.constant 160 : i32
      %mul3A_62 = arith.muli %scan3A_57, %mul3A_61 : i32
      %add3A_63 = arith.addi %mul3A_60, %mul3A_62 : i32
      "tpu.region"() ({
        %run_scoped3A_65 = tpu.sem_alloc : memref<!tpu.dma_semaphore, #tpu.memory_space<semaphore_mem>>
        %dma_start3A_66 = arith.constant 0 : i32
        %dma_start3A_67 = arith.constant 0 : i32
        %dma_start3A_68 = tpu.memref_slice %arg7[%dma_start3A_66, %dma_start3A_67] : memref<100x128xf32, #tpu.memory_space<vmem>> -> memref<160x128xf32, #tpu.memory_space<vmem>>
        %dma_start3A_69 = arith.constant 0 : i32
        %dma_start3A_70 = tpu.memref_slice %arg6[%add3A_63, %dma_start3A_69] : memref<10240x128xf32, #tpu.memory_space<vmem_shared>> -> memref<160x128xf32, #tpu.memory_space<vmem_shared>>
        %dma_start3A_71 = arith.constant 0 : i32
        %dma_start3A_72 = tpu.memref_slice %arg6[%add3A_63, %dma_start3A_71] : memref<10240x128xf32, #tpu.memory_space<vmem_shared>> -> memref<160x128xf32, #tpu.memory_space<vmem_shared>>
        %dma_start3A_73 = arith.constant 0 : i32
        %dma_start3A_74 = arith.constant 0 : i32
        %dma_start3A_75 = tpu.memref_slice %arg7[%dma_start3A_73, %dma_start3A_74] : memref<100x128xf32, #tpu.memory_space<vmem>> -> memref<160x128xf32, #tpu.memory_space<vmem>>
        tpu.enqueue_dma source(%dma_start3A_75 : memref<160x128xf32, #tpu.memory_space<vmem>>) target(%dma_start3A_72 : memref<160x128xf32, #tpu.memory_space<vmem_shared>>) target_semaphore(%run_scoped3A_65 : memref<!tpu.dma_semaphore, #tpu.memory_space<semaphore_mem>>)
        %dma_wait3A_76 = arith.constant 0 : i32
        %dma_wait3A_77 = arith.constant 0 : i32
        %dma_wait3A_78 = tpu.memref_slice %arg7[%dma_wait3A_76, %dma_wait3A_77] : memref<100x128xf32, #tpu.memory_space<vmem>> -> memref<160x128xf32, #tpu.memory_space<vmem>>
        %dma_wait3A_79 = arith.constant 0 : i32
        %dma_wait3A_80 = tpu.memref_slice %arg6[%add3A_63, %dma_wait3A_79] : memref<10240x128xf32, #tpu.memory_space<vmem_shared>> -> memref<160x128xf32, #tpu.memory_space<vmem_shared>>
        %dma_wait3A_81 = arith.constant 0 : i32
        %dma_wait3A_82 = tpu.memref_slice %arg6[%add3A_63, %dma_wait3A_81] : memref<10240x128xf32, #tpu.memory_space<vmem_shared>> -> memref<160x128xf32, #tpu.memory_space<vmem_shared>>
        %dma_wait3A_83 = arith.constant 0 : i32
        %dma_wait3A_84 = arith.constant 0 : i32
        %dma_wait3A_85 = tpu.memref_slice %arg7[%dma_wait3A_83, %dma_wait3A_84] : memref<100x128xf32, #tpu.memory_space<vmem>> -> memref<160x128xf32, #tpu.memory_space<vmem>>
        tpu.wait_dma2 semaphore(%run_scoped3A_65 : memref<!tpu.dma_semaphore, #tpu.memory_space<semaphore_mem>>) src(%dma_wait3A_85 : memref<160x128xf32, #tpu.memory_space<vmem>>) dst(%dma_wait3A_82 : memref<160x128xf32, #tpu.memory_space<vmem_shared>>)
        tpu.yield
      }) : () -> ()
      %scan3A_64 = arith.constant 0 : i32
      scf.yield %scan3A_64 : i32
    }
    %scan3A_14 = arith.constant 4 : i32
    %barrier3A = arith.constant 0 : index
    tpu.barrier barrier_id(%barrier3A)
    %dma_start3A = arith.constant 0 : i32
    %dma_start3A_15 = arith.constant 0 : i32
    %dma_start3A_16 = tpu.memref_slice %arg9[%dma_start3A, %dma_start3A_15] : memref<100x100xi32, #tpu.memory_space<vmem>> -> memref<1x100xi32, #tpu.memory_space<vmem>>
    %dma_start3A_17 = tpu.memref_squeeze %dma_start3A_16 : memref<1x100xi32, #tpu.memory_space<vmem>> -> memref<100xi32, #tpu.memory_space<vmem>>
    %dma_start3A_18 = arith.constant 0 : i32
    %dma_start3A_19 = arith.constant 0 : i32
    %dma_start3A_20 = tpu.memref_slice %arg2[%dma_start3A_18, %dma_start3A_19] : memref<10240x128xf32, #tpu.memory_space<hbm>> -> memref<10240x128xf32, #tpu.memory_space<hbm>>
    tpu.enqueue_indirect_dma source(%dma_start3A_20 : memref<10240x128xf32, #tpu.memory_space<hbm>>) target(%arg7 : memref<100x128xf32, #tpu.memory_space<vmem>>) offsets(%dma_start3A_17 : memref<100xi32, #tpu.memory_space<vmem>>) semaphore(%arg11 : memref<!tpu.dma_semaphore, #tpu.memory_space<semaphore_mem>>)
    %scan3A_21 = arith.constant 0 : i32
    %scan3A_22 = arith.constant 0 : i32
    %scan3A_23 = arith.constant 49 : i32
    %scan3A_24 = arith.addi %scan3A_22, %scan3A_23 : i32
    %scan3A_25 = arith.constant 1 : i32
    %scan3A_26 = scf.for %scan3A_57 = %scan3A_22 to %scan3A_24 step %scan3A_25 iter_args(%scan3A_58 = %scan3A_21) -> (i32)  : i32 {
      %mul3A_59 = arith.constant 2 : i32
      %mul3A_60 = arith.muli %mul3A_59, %scan3A_57 : i32
      %add3A_61 = arith.constant 1 : i32
      %add3A_62 = arith.addi %mul3A_60, %add3A_61 : i32
      %dma_start3A_63 = arith.constant 0 : i32
      %dma_start3A_64 = tpu.memref_slice %arg9[%add3A_62, %dma_start3A_63] : memref<100x100xi32, #tpu.memory_space<vmem>> -> memref<1x100xi32, #tpu.memory_space<vmem>>
      %dma_start3A_65 = tpu.memref_squeeze %dma_start3A_64 : memref<1x100xi32, #tpu.memory_space<vmem>> -> memref<100xi32, #tpu.memory_space<vmem>>
      %dma_start3A_66 = arith.constant 0 : i32
      %dma_start3A_67 = arith.constant 0 : i32
      %dma_start3A_68 = tpu.memref_slice %arg2[%dma_start3A_66, %dma_start3A_67] : memref<10240x128xf32, #tpu.memory_space<hbm>> -> memref<10240x128xf32, #tpu.memory_space<hbm>>
      tpu.enqueue_indirect_dma source(%dma_start3A_68 : memref<10240x128xf32, #tpu.memory_space<hbm>>) target(%arg8 : memref<100x128xf32, #tpu.memory_space<vmem>>) offsets(%dma_start3A_65 : memref<100xi32, #tpu.memory_space<vmem>>) semaphore(%arg12 : memref<!tpu.dma_semaphore, #tpu.memory_space<semaphore_mem>>)
      %dma_wait3A_69 = arith.constant 0 : i32
      %dma_wait3A_70 = tpu.memref_slice %arg9[%mul3A_60, %dma_wait3A_69] : memref<100x100xi32, #tpu.memory_space<vmem>> -> memref<1x100xi32, #tpu.memory_space<vmem>>
      %dma_wait3A_71 = tpu.memref_squeeze %dma_wait3A_70 : memref<1x100xi32, #tpu.memory_space<vmem>> -> memref<100xi32, #tpu.memory_space<vmem>>
      %dma_wait3A_72 = arith.constant 0 : i32
      %dma_wait3A_73 = arith.constant 0 : i32
      %dma_wait3A_74 = tpu.memref_slice %arg2[%dma_wait3A_72, %dma_wait3A_73] : memref<10240x128xf32, #tpu.memory_space<hbm>> -> memref<10240x128xf32, #tpu.memory_space<hbm>>
      tpu.wait_indirect_dma semaphore(%arg11 : memref<!tpu.dma_semaphore, #tpu.memory_space<semaphore_mem>>) src(%dma_wait3A_74 : memref<10240x128xf32, #tpu.memory_space<hbm>>) dst(%arg7 : memref<100x128xf32, #tpu.memory_space<vmem>>)
      "tpu.region"() ({
        %run_scoped3A_94 = tpu.sem_alloc : memref<!tpu.dma_semaphore, #tpu.memory_space<semaphore_mem>>
        %dma_start3A_95 = arith.constant 0 : i32
        %dma_start3A_96 = tpu.memref_slice %arg10[%mul3A_60, %dma_start3A_95] : memref<100x100xi32, #tpu.memory_space<vmem>> -> memref<1x100xi32, #tpu.memory_space<vmem>>
        %dma_start3A_97 = tpu.memref_squeeze %dma_start3A_96 : memref<1x100xi32, #tpu.memory_space<vmem>> -> memref<100xi32, #tpu.memory_space<vmem>>
        %dma_start3A_98 = arith.constant 0 : i32
        %dma_start3A_99 = arith.constant 0 : i32
        %dma_start3A_100 = tpu.memref_slice %arg6[%dma_start3A_98, %dma_start3A_99] : memref<10240x128xf32, #tpu.memory_space<vmem_shared>> -> memref<10240x128xf32, #tpu.memory_space<vmem_shared>>
        tpu.enqueue_indirect_dma source(%arg7 : memref<100x128xf32, #tpu.memory_space<vmem>>) target(%dma_start3A_100 : memref<10240x128xf32, #tpu.memory_space<vmem_shared>>) offsets(%dma_start3A_97 : memref<100xi32, #tpu.memory_space<vmem>>) semaphore(%run_scoped3A_94 : memref<!tpu.dma_semaphore, #tpu.memory_space<semaphore_mem>>) {add = true}
        %dma_wait3A_101 = arith.constant 0 : i32
        %dma_wait3A_102 = tpu.memref_slice %arg10[%mul3A_60, %dma_wait3A_101] : memref<100x100xi32, #tpu.memory_space<vmem>> -> memref<1x100xi32, #tpu.memory_space<vmem>>
        %dma_wait3A_103 = tpu.memref_squeeze %dma_wait3A_102 : memref<1x100xi32, #tpu.memory_space<vmem>> -> memref<100xi32, #tpu.memory_space<vmem>>
        %dma_wait3A_104 = arith.constant 0 : i32
        %dma_wait3A_105 = arith.constant 0 : i32
        %dma_wait3A_106 = tpu.memref_slice %arg6[%dma_wait3A_104, %dma_wait3A_105] : memref<10240x128xf32, #tpu.memory_space<vmem_shared>> -> memref<10240x128xf32, #tpu.memory_space<vmem_shared>>
        tpu.wait_indirect_dma semaphore(%run_scoped3A_94 : memref<!tpu.dma_semaphore, #tpu.memory_space<semaphore_mem>>) src(%arg7 : memref<100x128xf32, #tpu.memory_space<vmem>>) dst(%dma_wait3A_106 : memref<10240x128xf32, #tpu.memory_space<vmem_shared>>)
        tpu.yield
      }) : () -> ()
      %add3A_75 = arith.constant 2 : i32
      %add3A_76 = arith.addi %mul3A_60, %add3A_75 : i32
      %dma_start3A_77 = arith.constant 0 : i32
      %dma_start3A_78 = tpu.memref_slice %arg9[%add3A_76, %dma_start3A_77] : memref<100x100xi32, #tpu.memory_space<vmem>> -> memref<1x100xi32, #tpu.memory_space<vmem>>
      %dma_start3A_79 = tpu.memref_squeeze %dma_start3A_78 : memref<1x100xi32, #tpu.memory_space<vmem>> -> memref<100xi32, #tpu.memory_space<vmem>>
      %dma_start3A_80 = arith.constant 0 : i32
      %dma_start3A_81 = arith.constant 0 : i32
      %dma_start3A_82 = tpu.memref_slice %arg2[%dma_start3A_80, %dma_start3A_81] : memref<10240x128xf32, #tpu.memory_space<hbm>> -> memref<10240x128xf32, #tpu.memory_space<hbm>>
      tpu.enqueue_indirect_dma source(%dma_start3A_82 : memref<10240x128xf32, #tpu.memory_space<hbm>>) target(%arg7 : memref<100x128xf32, #tpu.memory_space<vmem>>) offsets(%dma_start3A_79 : memref<100xi32, #tpu.memory_space<vmem>>) semaphore(%arg11 : memref<!tpu.dma_semaphore, #tpu.memory_space<semaphore_mem>>)
      %add3A_83 = arith.constant 1 : i32
      %add3A_84 = arith.addi %mul3A_60, %add3A_83 : i32
      %dma_wait3A_85 = arith.constant 0 : i32
      %dma_wait3A_86 = tpu.memref_slice %arg9[%add3A_84, %dma_wait3A_85] : memref<100x100xi32, #tpu.memory_space<vmem>> -> memref<1x100xi32, #tpu.memory_space<vmem>>
      %dma_wait3A_87 = tpu.memref_squeeze %dma_wait3A_86 : memref<1x100xi32, #tpu.memory_space<vmem>> -> memref<100xi32, #tpu.memory_space<vmem>>
      %dma_wait3A_88 = arith.constant 0 : i32
      %dma_wait3A_89 = arith.constant 0 : i32
      %dma_wait3A_90 = tpu.memref_slice %arg2[%dma_wait3A_88, %dma_wait3A_89] : memref<10240x128xf32, #tpu.memory_space<hbm>> -> memref<10240x128xf32, #tpu.memory_space<hbm>>
      tpu.wait_indirect_dma semaphore(%arg12 : memref<!tpu.dma_semaphore, #tpu.memory_space<semaphore_mem>>) src(%dma_wait3A_90 : memref<10240x128xf32, #tpu.memory_space<hbm>>) dst(%arg8 : memref<100x128xf32, #tpu.memory_space<vmem>>)
      %add3A_91 = arith.constant 1 : i32
      %add3A_92 = arith.addi %mul3A_60, %add3A_91 : i32
      "tpu.region"() ({
        %run_scoped3A_94 = tpu.sem_alloc : memref<!tpu.dma_semaphore, #tpu.memory_space<semaphore_mem>>
        %dma_start3A_95 = arith.constant 0 : i32
        %dma_start3A_96 = tpu.memref_slice %arg10[%add3A_92, %dma_start3A_95] : memref<100x100xi32, #tpu.memory_space<vmem>> -> memref<1x100xi32, #tpu.memory_space<vmem>>
        %dma_start3A_97 = tpu.memref_squeeze %dma_start3A_96 : memref<1x100xi32, #tpu.memory_space<vmem>> -> memref<100xi32, #tpu.memory_space<vmem>>
        %dma_start3A_98 = arith.constant 0 : i32
        %dma_start3A_99 = arith.constant 0 : i32
        %dma_start3A_100 = tpu.memref_slice %arg6[%dma_start3A_98, %dma_start3A_99] : memref<10240x128xf32, #tpu.memory_space<vmem_shared>> -> memref<10240x128xf32, #tpu.memory_space<vmem_shared>>
        tpu.enqueue_indirect_dma source(%arg8 : memref<100x128xf32, #tpu.memory_space<vmem>>) target(%dma_start3A_100 : memref<10240x128xf32, #tpu.memory_space<vmem_shared>>) offsets(%dma_start3A_97 : memref<100xi32, #tpu.memory_space<vmem>>) semaphore(%run_scoped3A_94 : memref<!tpu.dma_semaphore, #tpu.memory_space<semaphore_mem>>) {add = true}
        %dma_wait3A_101 = arith.constant 0 : i32
        %dma_wait3A_102 = tpu.memref_slice %arg10[%add3A_92, %dma_wait3A_101] : memref<100x100xi32, #tpu.memory_space<vmem>> -> memref<1x100xi32, #tpu.memory_space<vmem>>
        %dma_wait3A_103 = tpu.memref_squeeze %dma_wait3A_102 : memref<1x100xi32, #tpu.memory_space<vmem>> -> memref<100xi32, #tpu.memory_space<vmem>>
        %dma_wait3A_104 = arith.constant 0 : i32
        %dma_wait3A_105 = arith.constant 0 : i32
        %dma_wait3A_106 = tpu.memref_slice %arg6[%dma_wait3A_104, %dma_wait3A_105] : memref<10240x128xf32, #tpu.memory_space<vmem_shared>> -> memref<10240x128xf32, #tpu.memory_space<vmem_shared>>
        tpu.wait_indirect_dma semaphore(%run_scoped3A_94 : memref<!tpu.dma_semaphore, #tpu.memory_space<semaphore_mem>>) src(%arg8 : memref<100x128xf32, #tpu.memory_space<vmem>>) dst(%dma_wait3A_106 : memref<10240x128xf32, #tpu.memory_space<vmem_shared>>)
        tpu.yield
      }) : () -> ()
      %scan3A_93 = arith.constant 0 : i32
      scf.yield %scan3A_93 : i32
    }
    %scan3A_27 = arith.constant 49 : i32
    %dma_start3A_28 = arith.constant 99 : i32
    %dma_start3A_29 = arith.constant 0 : i32
    %dma_start3A_30 = tpu.memref_slice %arg9[%dma_start3A_28, %dma_start3A_29] : memref<100x100xi32, #tpu.memory_space<vmem>> -> memref<1x100xi32, #tpu.memory_space<vmem>>
    %dma_start3A_31 = tpu.memref_squeeze %dma_start3A_30 : memref<1x100xi32, #tpu.memory_space<vmem>> -> memref<100xi32, #tpu.memory_space<vmem>>
    %dma_start3A_32 = arith.constant 0 : i32
    %dma_start3A_33 = arith.constant 0 : i32
    %dma_start3A_34 = tpu.memref_slice %arg2[%dma_start3A_32, %dma_start3A_33] : memref<10240x128xf32, #tpu.memory_space<hbm>> -> memref<10240x128xf32, #tpu.memory_space<hbm>>
    tpu.enqueue_indirect_dma source(%dma_start3A_34 : memref<10240x128xf32, #tpu.memory_space<hbm>>) target(%arg8 : memref<100x128xf32, #tpu.memory_space<vmem>>) offsets(%dma_start3A_31 : memref<100xi32, #tpu.memory_space<vmem>>) semaphore(%arg12 : memref<!tpu.dma_semaphore, #tpu.memory_space<semaphore_mem>>)
    %dma_wait3A = arith.constant 98 : i32
    %dma_wait3A_35 = arith.constant 0 : i32
    %dma_wait3A_36 = tpu.memref_slice %arg9[%dma_wait3A, %dma_wait3A_35] : memref<100x100xi32, #tpu.memory_space<vmem>> -> memref<1x100xi32, #tpu.memory_space<vmem>>
    %dma_wait3A_37 = tpu.memref_squeeze %dma_wait3A_36 : memref<1x100xi32, #tpu.memory_space<vmem>> -> memref<100xi32, #tpu.memory_space<vmem>>
    %dma_wait3A_38 = arith.constant 0 : i32
    %dma_wait3A_39 = arith.constant 0 : i32
    %dma_wait3A_40 = tpu.memref_slice %arg2[%dma_wait3A_38, %dma_wait3A_39] : memref<10240x128xf32, #tpu.memory_space<hbm>> -> memref<10240x128xf32, #tpu.memory_space<hbm>>
    tpu.wait_indirect_dma semaphore(%arg11 : memref<!tpu.dma_semaphore, #tpu.memory_space<semaphore_mem>>) src(%dma_wait3A_40 : memref<10240x128xf32, #tpu.memory_space<hbm>>) dst(%arg7 : memref<100x128xf32, #tpu.memory_space<vmem>>)
    %run_scoped3A = arith.constant 98 : i32
    "tpu.region"() ({
      %run_scoped3A_57 = tpu.sem_alloc : memref<!tpu.dma_semaphore, #tpu.memory_space<semaphore_mem>>
      %dma_start3A_58 = arith.constant 0 : i32
      %dma_start3A_59 = tpu.memref_slice %arg10[%run_scoped3A, %dma_start3A_58] : memref<100x100xi32, #tpu.memory_space<vmem>> -> memref<1x100xi32, #tpu.memory_space<vmem>>
      %dma_start3A_60 = tpu.memref_squeeze %dma_start3A_59 : memref<1x100xi32, #tpu.memory_space<vmem>> -> memref<100xi32, #tpu.memory_space<vmem>>
      %dma_start3A_61 = arith.constant 0 : i32
      %dma_start3A_62 = arith.constant 0 : i32
      %dma_start3A_63 = tpu.memref_slice %arg6[%dma_start3A_61, %dma_start3A_62] : memref<10240x128xf32, #tpu.memory_space<vmem_shared>> -> memref<10240x128xf32, #tpu.memory_space<vmem_shared>>
      tpu.enqueue_indirect_dma source(%arg7 : memref<100x128xf32, #tpu.memory_space<vmem>>) target(%dma_start3A_63 : memref<10240x128xf32, #tpu.memory_space<vmem_shared>>) offsets(%dma_start3A_60 : memref<100xi32, #tpu.memory_space<vmem>>) semaphore(%run_scoped3A_57 : memref<!tpu.dma_semaphore, #tpu.memory_space<semaphore_mem>>) {add = true}
      %dma_wait3A_64 = arith.constant 0 : i32
      %dma_wait3A_65 = tpu.memref_slice %arg10[%run_scoped3A, %dma_wait3A_64] : memref<100x100xi32, #tpu.memory_space<vmem>> -> memref<1x100xi32, #tpu.memory_space<vmem>>
      %dma_wait3A_66 = tpu.memref_squeeze %dma_wait3A_65 : memref<1x100xi32, #tpu.memory_space<vmem>> -> memref<100xi32, #tpu.memory_space<vmem>>
      %dma_wait3A_67 = arith.constant 0 : i32
      %dma_wait3A_68 = arith.constant 0 : i32
      %dma_wait3A_69 = tpu.memref_slice %arg6[%dma_wait3A_67, %dma_wait3A_68] : memref<10240x128xf32, #tpu.memory_space<vmem_shared>> -> memref<10240x128xf32, #tpu.memory_space<vmem_shared>>
      tpu.wait_indirect_dma semaphore(%run_scoped3A_57 : memref<!tpu.dma_semaphore, #tpu.memory_space<semaphore_mem>>) src(%arg7 : memref<100x128xf32, #tpu.memory_space<vmem>>) dst(%dma_wait3A_69 : memref<10240x128xf32, #tpu.memory_space<vmem_shared>>)
      tpu.yield
    }) : () -> ()
    %dma_wait3A_41 = arith.constant 99 : i32
    %dma_wait3A_42 = arith.constant 0 : i32
    %dma_wait3A_43 = tpu.memref_slice %arg9[%dma_wait3A_41, %dma_wait3A_42] : memref<100x100xi32, #tpu.memory_space<vmem>> -> memref<1x100xi32, #tpu.memory_space<vmem>>
    %dma_wait3A_44 = tpu.memref_squeeze %dma_wait3A_43 : memref<1x100xi32, #tpu.memory_space<vmem>> -> memref<100xi32, #tpu.memory_space<vmem>>
    %dma_wait3A_45 = arith.constant 0 : i32
    %dma_wait3A_46 = arith.constant 0 : i32
    %dma_wait3A_47 = tpu.memref_slice %arg2[%dma_wait3A_45, %dma_wait3A_46] : memref<10240x128xf32, #tpu.memory_space<hbm>> -> memref<10240x128xf32, #tpu.memory_space<hbm>>
    tpu.wait_indirect_dma semaphore(%arg12 : memref<!tpu.dma_semaphore, #tpu.memory_space<semaphore_mem>>) src(%dma_wait3A_47 : memref<10240x128xf32, #tpu.memory_space<hbm>>) dst(%arg8 : memref<100x128xf32, #tpu.memory_space<vmem>>)
    %run_scoped3A_48 = arith.constant 99 : i32
    "tpu.region"() ({
      %run_scoped3A_57 = tpu.sem_alloc : memref<!tpu.dma_semaphore, #tpu.memory_space<semaphore_mem>>
      %dma_start3A_58 = arith.constant 0 : i32
      %dma_start3A_59 = tpu.memref_slice %arg10[%run_scoped3A_48, %dma_start3A_58] : memref<100x100xi32, #tpu.memory_space<vmem>> -> memref<1x100xi32, #tpu.memory_space<vmem>>
      %dma_start3A_60 = tpu.memref_squeeze %dma_start3A_59 : memref<1x100xi32, #tpu.memory_space<vmem>> -> memref<100xi32, #tpu.memory_space<vmem>>
      %dma_start3A_61 = arith.constant 0 : i32
      %dma_start3A_62 = arith.constant 0 : i32
      %dma_start3A_63 = tpu.memref_slice %arg6[%dma_start3A_61, %dma_start3A_62] : memref<10240x128xf32, #tpu.memory_space<vmem_shared>> -> memref<10240x128xf32, #tpu.memory_space<vmem_shared>>
      tpu.enqueue_indirect_dma source(%arg8 : memref<100x128xf32, #tpu.memory_space<vmem>>) target(%dma_start3A_63 : memref<10240x128xf32, #tpu.memory_space<vmem_shared>>) offsets(%dma_start3A_60 : memref<100xi32, #tpu.memory_space<vmem>>) semaphore(%run_scoped3A_57 : memref<!tpu.dma_semaphore, #tpu.memory_space<semaphore_mem>>) {add = true}
      %dma_wait3A_64 = arith.constant 0 : i32
      %dma_wait3A_65 = tpu.memref_slice %arg10[%run_scoped3A_48, %dma_wait3A_64] : memref<100x100xi32, #tpu.memory_space<vmem>> -> memref<1x100xi32, #tpu.memory_space<vmem>>
      %dma_wait3A_66 = tpu.memref_squeeze %dma_wait3A_65 : memref<1x100xi32, #tpu.memory_space<vmem>> -> memref<100xi32, #tpu.memory_space<vmem>>
      %dma_wait3A_67 = arith.constant 0 : i32
      %dma_wait3A_68 = arith.constant 0 : i32
      %dma_wait3A_69 = tpu.memref_slice %arg6[%dma_wait3A_67, %dma_wait3A_68] : memref<10240x128xf32, #tpu.memory_space<vmem_shared>> -> memref<10240x128xf32, #tpu.memory_space<vmem_shared>>
      tpu.wait_indirect_dma semaphore(%run_scoped3A_57 : memref<!tpu.dma_semaphore, #tpu.memory_space<semaphore_mem>>) src(%arg8 : memref<100x128xf32, #tpu.memory_space<vmem>>) dst(%dma_wait3A_69 : memref<10240x128xf32, #tpu.memory_space<vmem_shared>>)
      tpu.yield
    }) : () -> ()
    %barrier3A_49 = arith.constant 0 : index
    tpu.barrier barrier_id(%barrier3A_49)
    %scan3A_50 = arith.constant 0 : i32
    %scan3A_51 = arith.constant 0 : i32
    %scan3A_52 = arith.constant 4 : i32
    %scan3A_53 = arith.addi %scan3A_51, %scan3A_52 : i32
    %scan3A_54 = arith.constant 1 : i32
    %scan3A_55 = scf.for %scan3A_57 = %scan3A_51 to %scan3A_53 step %scan3A_54 iter_args(%scan3A_58 = %scan3A_50) -> (i32)  : i32 {
      %mul3A_59 = arith.constant 640 : i32
      %mul3A_60 = arith.muli %arg1, %mul3A_59 : i32
      %mul3A_61 = arith.constant 160 : i32
      %mul3A_62 = arith.muli %scan3A_57, %mul3A_61 : i32
      %add3A_63 = arith.addi %mul3A_60, %mul3A_62 : i32
      %multiple_of3A = tpu.assume_multiple %add3A_63, 8 : i32
      "tpu.region"() ({
        %run_scoped3A_65 = tpu.sem_alloc : memref<!tpu.dma_semaphore, #tpu.memory_space<semaphore_mem>>
        %dma_start3A_66 = arith.constant 0 : i32
        %dma_start3A_67 = arith.constant 0 : i32
        %dma_start3A_68 = tpu.memref_slice %arg7[%dma_start3A_66, %dma_start3A_67] : memref<100x128xf32, #tpu.memory_space<vmem>> -> memref<160x128xf32, #tpu.memory_space<vmem>>
        %dma_start3A_69 = arith.constant 0 : i32
        %dma_start3A_70 = tpu.memref_slice %arg6[%multiple_of3A, %dma_start3A_69] : memref<10240x128xf32, #tpu.memory_space<vmem_shared>> -> memref<160x128xf32, #tpu.memory_space<vmem_shared>>
        %dma_start3A_71 = arith.constant 0 : i32
        %dma_start3A_72 = arith.constant 0 : i32
        %dma_start3A_73 = tpu.memref_slice %arg7[%dma_start3A_71, %dma_start3A_72] : memref<100x128xf32, #tpu.memory_space<vmem>> -> memref<160x128xf32, #tpu.memory_space<vmem>>
        %dma_start3A_74 = arith.constant 0 : i32
        %dma_start3A_75 = tpu.memref_slice %arg6[%multiple_of3A, %dma_start3A_74] : memref<10240x128xf32, #tpu.memory_space<vmem_shared>> -> memref<160x128xf32, #tpu.memory_space<vmem_shared>>
        tpu.enqueue_dma source(%dma_start3A_75 : memref<160x128xf32, #tpu.memory_space<vmem_shared>>) target(%dma_start3A_73 : memref<160x128xf32, #tpu.memory_space<vmem>>) target_semaphore(%run_scoped3A_65 : memref<!tpu.dma_semaphore, #tpu.memory_space<semaphore_mem>>)
        %dma_wait3A_76 = arith.constant 0 : i32
        %dma_wait3A_77 = arith.constant 0 : i32
        %dma_wait3A_78 = tpu.memref_slice %arg7[%dma_wait3A_76, %dma_wait3A_77] : memref<100x128xf32, #tpu.memory_space<vmem>> -> memref<160x128xf32, #tpu.memory_space<vmem>>
        %dma_wait3A_79 = arith.constant 0 : i32
        %dma_wait3A_80 = tpu.memref_slice %arg6[%multiple_of3A, %dma_wait3A_79] : memref<10240x128xf32, #tpu.memory_space<vmem_shared>> -> memref<160x128xf32, #tpu.memory_space<vmem_shared>>
        %dma_wait3A_81 = arith.constant 0 : i32
        %dma_wait3A_82 = arith.constant 0 : i32
        %dma_wait3A_83 = tpu.memref_slice %arg7[%dma_wait3A_81, %dma_wait3A_82] : memref<100x128xf32, #tpu.memory_space<vmem>> -> memref<160x128xf32, #tpu.memory_space<vmem>>
        %dma_wait3A_84 = arith.constant 0 : i32
        %dma_wait3A_85 = tpu.memref_slice %arg6[%multiple_of3A, %dma_wait3A_84] : memref<10240x128xf32, #tpu.memory_space<vmem_shared>> -> memref<160x128xf32, #tpu.memory_space<vmem_shared>>
        tpu.wait_dma2 semaphore(%run_scoped3A_65 : memref<!tpu.dma_semaphore, #tpu.memory_space<semaphore_mem>>) src(%dma_wait3A_85 : memref<160x128xf32, #tpu.memory_space<vmem_shared>>) dst(%dma_wait3A_83 : memref<160x128xf32, #tpu.memory_space<vmem>>)
        tpu.yield
      }) : () -> ()
      "tpu.region"() ({
        %run_scoped3A_65 = tpu.sem_alloc : memref<!tpu.dma_semaphore, #tpu.memory_space<semaphore_mem>>
        %dma_start3A_66 = arith.constant 0 : i32
        %dma_start3A_67 = arith.constant 0 : i32
        %dma_start3A_68 = tpu.memref_slice %arg7[%dma_start3A_66, %dma_start3A_67] : memref<100x128xf32, #tpu.memory_space<vmem>> -> memref<160x128xf32, #tpu.memory_space<vmem>>
        %dma_start3A_69 = arith.constant 0 : i32
        %dma_start3A_70 = tpu.memref_slice %arg5[%arg0, %multiple_of3A, %dma_start3A_69] : memref<2x10240x128xf32, #tpu.memory_space<hbm>> -> memref<1x160x128xf32, #tpu.memory_space<hbm>>
        %dma_start3A_71 = tpu.memref_squeeze %dma_start3A_70 : memref<1x160x128xf32, #tpu.memory_space<hbm>> -> memref<160x128xf32, #tpu.memory_space<hbm>>
        %dma_start3A_72 = arith.constant 0 : i32
        %dma_start3A_73 = tpu.memref_slice %arg5[%arg0, %multiple_of3A, %dma_start3A_72] : memref<2x10240x128xf32, #tpu.memory_space<hbm>> -> memref<1x160x128xf32, #tpu.memory_space<hbm>>
        %dma_start3A_74 = tpu.memref_squeeze %dma_start3A_73 : memref<1x160x128xf32, #tpu.memory_space<hbm>> -> memref<160x128xf32, #tpu.memory_space<hbm>>
        %dma_start3A_75 = arith.constant 0 : i32
        %dma_start3A_76 = arith.constant 0 : i32
        %dma_start3A_77 = tpu.memref_slice %arg7[%dma_start3A_75, %dma_start3A_76] : memref<100x128xf32, #tpu.memory_space<vmem>> -> memref<160x128xf32, #tpu.memory_space<vmem>>
        tpu.enqueue_dma source(%dma_start3A_77 : memref<160x128xf32, #tpu.memory_space<vmem>>) target(%dma_start3A_74 : memref<160x128xf32, #tpu.memory_space<hbm>>) target_semaphore(%run_scoped3A_65 : memref<!tpu.dma_semaphore, #tpu.memory_space<semaphore_mem>>)
        %dma_wait3A_78 = arith.constant 0 : i32
        %dma_wait3A_79 = arith.constant 0 : i32
        %dma_wait3A_80 = tpu.memref_slice %arg7[%dma_wait3A_78, %dma_wait3A_79] : memref<100x128xf32, #tpu.memory_space<vmem>> -> memref<160x128xf32, #tpu.memory_space<vmem>>
        %dma_wait3A_81 = arith.constant 0 : i32
        %dma_wait3A_82 = tpu.memref_slice %arg5[%arg0, %multiple_of3A, %dma_wait3A_81] : memref<2x10240x128xf32, #tpu.memory_space<hbm>> -> memref<1x160x128xf32, #tpu.memory_space<hbm>>
        %dma_wait3A_83 = tpu.memref_squeeze %dma_wait3A_82 : memref<1x160x128xf32, #tpu.memory_space<hbm>> -> memref<160x128xf32, #tpu.memory_space<hbm>>
        %dma_wait3A_84 = arith.constant 0 : i32
        %dma_wait3A_85 = tpu.memref_slice %arg5[%arg0, %multiple_of3A, %dma_wait3A_84] : memref<2x10240x128xf32, #tpu.memory_space<hbm>> -> memref<1x160x128xf32, #tpu.memory_space<hbm>>
        %dma_wait3A_86 = tpu.memref_squeeze %dma_wait3A_85 : memref<1x160x128xf32, #tpu.memory_space<hbm>> -> memref<160x128xf32, #tpu.memory_space<hbm>>
        %dma_wait3A_87 = arith.constant 0 : i32
        %dma_wait3A_88 = arith.constant 0 : i32
        %dma_wait3A_89 = tpu.memref_slice %arg7[%dma_wait3A_87, %dma_wait3A_88] : memref<100x128xf32, #tpu.memory_space<vmem>> -> memref<160x128xf32, #tpu.memory_space<vmem>>
        tpu.wait_dma2 semaphore(%run_scoped3A_65 : memref<!tpu.dma_semaphore, #tpu.memory_space<semaphore_mem>>) src(%dma_wait3A_89 : memref<160x128xf32, #tpu.memory_space<vmem>>) dst(%dma_wait3A_86 : memref<160x128xf32, #tpu.memory_space<hbm>>)
        tpu.yield
      }) : () -> ()
      %scan3A_64 = arith.constant 0 : i32
      scf.yield %scan3A_64 : i32
    }
    %scan3A_56 = arith.constant 4 : i32
    return
  }
}

#map = affine_map<(d0, d1) -> (0, 0)>
#map1 = affine_map<(d0, d1) -> (0, 0, 0)>
module attributes {stable_mosaic.version = 14 : i64} {
  func.func @_msg_kernel(%arg0: i32, %arg1: i32, %arg2: memref<10240x128xf32, #tpu.memory_space<hbm>>, %arg3: memref<32x100x100xi32, #tpu.memory_space<hbm>>, %arg4: memref<32x100x100xi32, #tpu.memory_space<hbm>>, %arg5: memref<2x10240x128xf32, #tpu.memory_space<hbm>>, %arg6: memref<10240x128xf32, #tpu.memory_space<vmem_shared>>, %arg7: memref<100x128xf32, #tpu.memory_space<vmem>>, %arg8: memref<100x128xf32, #tpu.memory_space<vmem>>, %arg9: memref<100x100xi32, #tpu.memory_space<vmem>>, %arg10: memref<100x100xi32, #tpu.memory_space<vmem>>, %arg11: memref<!tpu.dma_semaphore, #tpu.memory_space<semaphore_mem>>, %arg12: memref<!tpu.dma_semaphore, #tpu.memory_space<semaphore_mem>>) attributes {dimension_semantics = [#tpu.dimension_semantics<core_parallel>, #tpu.dimension_semantics<subcore_parallel>], iteration_bounds = array<i64: 2, 16>, scalar_prefetch = 0 : i64, scratch_operands = 7 : i64, tpu.core_type = #tpu.core_type<sc_vector_subcore>, window_params = [{transform_indices = #map}, {transform_indices = #map1}, {transform_indices = #map1}, {transform_indices = #map1}]} {
    %mul3A = arith.constant 2 : i32
    %mul3A_0 = arith.muli %arg1, %mul3A : i32
    %add3A = arith.addi %mul3A_0, %arg0 : i32
    "tpu.region"() ({
      %run_scoped3A_57 = tpu.sem_alloc : memref<!tpu.dma_semaphore, #tpu.memory_space<semaphore_mem>>
      %dma_start3A_58 = arith.constant 0 : i32
      %dma_start3A_59 = arith.constant 0 : i32
      %dma_start3A_60 = tpu.memref_slice %arg3[%add3A, %dma_start3A_58, %dma_start3A_59] : memref<32x100x100xi32, #tpu.memory_space<hbm>> -> memref<1x100x100xi32, #tpu.memory_space<hbm>>
      %dma_start3A_61 = tpu.memref_squeeze %dma_start3A_60 : memref<1x100x100xi32, #tpu.memory_space<hbm>> -> memref<100x100xi32, #tpu.memory_space<hbm>>
      %dma_start3A_62 = arith.constant 0 : i32
      %dma_start3A_63 = arith.constant 0 : i32
      %dma_start3A_64 = tpu.memref_slice %arg3[%add3A, %dma_start3A_62, %dma_start3A_63] : memref<32x100x100xi32, #tpu.memory_space<hbm>> -> memref<1x100x100xi32, #tpu.memory_space<hbm>>
      %dma_start3A_65 = tpu.memref_squeeze %dma_start3A_64 : memref<1x100x100xi32, #tpu.memory_space<hbm>> -> memref<100x100xi32, #tpu.memory_space<hbm>>
      tpu.enqueue_dma source(%dma_start3A_65 : memref<100x100xi32, #tpu.memory_space<hbm>>) target(%arg9 : memref<100x100xi32, #tpu.memory_space<vmem>>) target_semaphore(%run_scoped3A_57 : memref<!tpu.dma_semaphore, #tpu.memory_space<semaphore_mem>>)
      %dma_wait3A_66 = arith.constant 0 : i32
      %dma_wait3A_67 = arith.constant 0 : i32
      %dma_wait3A_68 = tpu.memref_slice %arg3[%add3A, %dma_wait3A_66, %dma_wait3A_67] : memref<32x100x100xi32, #tpu.memory_space<hbm>> -> memref<1x100x100xi32, #tpu.memory_space<hbm>>
      %dma_wait3A_69 = tpu.memref_squeeze %dma_wait3A_68 : memref<1x100x100xi32, #tpu.memory_space<hbm>> -> memref<100x100xi32, #tpu.memory_space<hbm>>
      %dma_wait3A_70 = arith.constant 0 : i32
      %dma_wait3A_71 = arith.constant 0 : i32
      %dma_wait3A_72 = tpu.memref_slice %arg3[%add3A, %dma_wait3A_70, %dma_wait3A_71] : memref<32x100x100xi32, #tpu.memory_space<hbm>> -> memref<1x100x100xi32, #tpu.memory_space<hbm>>
      %dma_wait3A_73 = tpu.memref_squeeze %dma_wait3A_72 : memref<1x100x100xi32, #tpu.memory_space<hbm>> -> memref<100x100xi32, #tpu.memory_space<hbm>>
      tpu.wait_dma2 semaphore(%run_scoped3A_57 : memref<!tpu.dma_semaphore, #tpu.memory_space<semaphore_mem>>) src(%dma_wait3A_73 : memref<100x100xi32, #tpu.memory_space<hbm>>) dst(%arg9 : memref<100x100xi32, #tpu.memory_space<vmem>>)
      tpu.yield
    }) : () -> ()
    "tpu.region"() ({
      %run_scoped3A_57 = tpu.sem_alloc : memref<!tpu.dma_semaphore, #tpu.memory_space<semaphore_mem>>
      %dma_start3A_58 = arith.constant 0 : i32
      %dma_start3A_59 = arith.constant 0 : i32
      %dma_start3A_60 = tpu.memref_slice %arg4[%add3A, %dma_start3A_58, %dma_start3A_59] : memref<32x100x100xi32, #tpu.memory_space<hbm>> -> memref<1x100x100xi32, #tpu.memory_space<hbm>>
      %dma_start3A_61 = tpu.memref_squeeze %dma_start3A_60 : memref<1x100x100xi32, #tpu.memory_space<hbm>> -> memref<100x100xi32, #tpu.memory_space<hbm>>
      %dma_start3A_62 = arith.constant 0 : i32
      %dma_start3A_63 = arith.constant 0 : i32
      %dma_start3A_64 = tpu.memref_slice %arg4[%add3A, %dma_start3A_62, %dma_start3A_63] : memref<32x100x100xi32, #tpu.memory_space<hbm>> -> memref<1x100x100xi32, #tpu.memory_space<hbm>>
      %dma_start3A_65 = tpu.memref_squeeze %dma_start3A_64 : memref<1x100x100xi32, #tpu.memory_space<hbm>> -> memref<100x100xi32, #tpu.memory_space<hbm>>
      tpu.enqueue_dma source(%dma_start3A_65 : memref<100x100xi32, #tpu.memory_space<hbm>>) target(%arg10 : memref<100x100xi32, #tpu.memory_space<vmem>>) target_semaphore(%run_scoped3A_57 : memref<!tpu.dma_semaphore, #tpu.memory_space<semaphore_mem>>)
      %dma_wait3A_66 = arith.constant 0 : i32
      %dma_wait3A_67 = arith.constant 0 : i32
      %dma_wait3A_68 = tpu.memref_slice %arg4[%add3A, %dma_wait3A_66, %dma_wait3A_67] : memref<32x100x100xi32, #tpu.memory_space<hbm>> -> memref<1x100x100xi32, #tpu.memory_space<hbm>>
      %dma_wait3A_69 = tpu.memref_squeeze %dma_wait3A_68 : memref<1x100x100xi32, #tpu.memory_space<hbm>> -> memref<100x100xi32, #tpu.memory_space<hbm>>
      %dma_wait3A_70 = arith.constant 0 : i32
      %dma_wait3A_71 = arith.constant 0 : i32
      %dma_wait3A_72 = tpu.memref_slice %arg4[%add3A, %dma_wait3A_70, %dma_wait3A_71] : memref<32x100x100xi32, #tpu.memory_space<hbm>> -> memref<1x100x100xi32, #tpu.memory_space<hbm>>
      %dma_wait3A_73 = tpu.memref_squeeze %dma_wait3A_72 : memref<1x100x100xi32, #tpu.memory_space<hbm>> -> memref<100x100xi32, #tpu.memory_space<hbm>>
      tpu.wait_dma2 semaphore(%run_scoped3A_57 : memref<!tpu.dma_semaphore, #tpu.memory_space<semaphore_mem>>) src(%dma_wait3A_73 : memref<100x100xi32, #tpu.memory_space<hbm>>) dst(%arg10 : memref<100x100xi32, #tpu.memory_space<vmem>>)
      tpu.yield
    }) : () -> ()
    %broadcast_in_dim3A = arith.constant 0.000000e+00 : f32
    %broadcast_in_dim3A_1 = vector.broadcast %broadcast_in_dim3A : f32 to vector<16xf32>
    %scan3A = arith.constant 0 : i32
    %scan3A_2 = arith.constant 0 : i32
    %scan3A_3 = arith.constant 160 : i32
    %scan3A_4 = arith.addi %scan3A_2, %scan3A_3 : i32
    %scan3A_5 = arith.constant 1 : i32
    %scan3A_6 = scf.for %scan3A_57 = %scan3A_2 to %scan3A_4 step %scan3A_5 iter_args(%scan3A_58 = %scan3A) -> (i32)  : i32 {
      %swap3A = arith.index_cast %scan3A_57 : i32 to index
      %swap3A_59 = arith.constant 0 : index
      %swap3A_60 = tpu.vector_load %arg7[%swap3A, %swap3A_59] {strides = array<i32>} : memref<100x128xf32, #tpu.memory_space<vmem>>, vector<1x16xf32>,
      %swap3A_61 = vector.shape_cast %swap3A_60 : vector<1x16xf32> to vector<16xf32>
      %swap3A_62 = vector.shape_cast %broadcast_in_dim3A_1 : vector<16xf32> to vector<1x16xf32>
      tpu.vector_store %arg7[%swap3A, %swap3A_59], %swap3A_62 {strides = array<i32>} : memref<100x128xf32, #tpu.memory_space<vmem>>, vector<1x16xf32>,
      %swap3A_63 = arith.index_cast %scan3A_57 : i32 to index
      %swap3A_64 = arith.constant 16 : index
      %swap3A_65 = tpu.vector_load %arg7[%swap3A_63, %swap3A_64] {strides = array<i32>} : memref<100x128xf32, #tpu.memory_space<vmem>>, vector<1x16xf32>,
      %swap3A_66 = vector.shape_cast %swap3A_65 : vector<1x16xf32> to vector<16xf32>
      %swap3A_67 = vector.shape_cast %broadcast_in_dim3A_1 : vector<16xf32> to vector<1x16xf32>
      tpu.vector_store %arg7[%swap3A_63, %swap3A_64], %swap3A_67 {strides = array<i32>} : memref<100x128xf32, #tpu.memory_space<vmem>>, vector<1x16xf32>,
      %swap3A_68 = arith.index_cast %scan3A_57 : i32 to index
      %swap3A_69 = arith.constant 32 : index
      %swap3A_70 = tpu.vector_load %arg7[%swap3A_68, %swap3A_69] {strides = array<i32>} : memref<100x128xf32, #tpu.memory_space<vmem>>, vector<1x16xf32>,
      %swap3A_71 = vector.shape_cast %swap3A_70 : vector<1x16xf32> to vector<16xf32>
      %swap3A_72 = vector.shape_cast %broadcast_in_dim3A_1 : vector<16xf32> to vector<1x16xf32>
      tpu.vector_store %arg7[%swap3A_68, %swap3A_69], %swap3A_72 {strides = array<i32>} : memref<100x128xf32, #tpu.memory_space<vmem>>, vector<1x16xf32>,
      %swap3A_73 = arith.index_cast %scan3A_57 : i32 to index
      %swap3A_74 = arith.constant 48 : index
      %swap3A_75 = tpu.vector_load %arg7[%swap3A_73, %swap3A_74] {strides = array<i32>} : memref<100x128xf32, #tpu.memory_space<vmem>>, vector<1x16xf32>,
      %swap3A_76 = vector.shape_cast %swap3A_75 : vector<1x16xf32> to vector<16xf32>
      %swap3A_77 = vector.shape_cast %broadcast_in_dim3A_1 : vector<16xf32> to vector<1x16xf32>
      tpu.vector_store %arg7[%swap3A_73, %swap3A_74], %swap3A_77 {strides = array<i32>} : memref<100x128xf32, #tpu.memory_space<vmem>>, vector<1x16xf32>,
      %swap3A_78 = arith.index_cast %scan3A_57 : i32 to index
      %swap3A_79 = arith.constant 64 : index
      %swap3A_80 = tpu.vector_load %arg7[%swap3A_78, %swap3A_79] {strides = array<i32>} : memref<100x128xf32, #tpu.memory_space<vmem>>, vector<1x16xf32>,
      %swap3A_81 = vector.shape_cast %swap3A_80 : vector<1x16xf32> to vector<16xf32>
      %swap3A_82 = vector.shape_cast %broadcast_in_dim3A_1 : vector<16xf32> to vector<1x16xf32>
      tpu.vector_store %arg7[%swap3A_78, %swap3A_79], %swap3A_82 {strides = array<i32>} : memref<100x128xf32, #tpu.memory_space<vmem>>, vector<1x16xf32>,
      %swap3A_83 = arith.index_cast %scan3A_57 : i32 to index
      %swap3A_84 = arith.constant 80 : index
      %swap3A_85 = tpu.vector_load %arg7[%swap3A_83, %swap3A_84] {strides = array<i32>} : memref<100x128xf32, #tpu.memory_space<vmem>>, vector<1x16xf32>,
      %swap3A_86 = vector.shape_cast %swap3A_85 : vector<1x16xf32> to vector<16xf32>
      %swap3A_87 = vector.shape_cast %broadcast_in_dim3A_1 : vector<16xf32> to vector<1x16xf32>
      tpu.vector_store %arg7[%swap3A_83, %swap3A_84], %swap3A_87 {strides = array<i32>} : memref<100x128xf32, #tpu.memory_space<vmem>>, vector<1x16xf32>,
      %swap3A_88 = arith.index_cast %scan3A_57 : i32 to index
      %swap3A_89 = arith.constant 96 : index
      %swap3A_90 = tpu.vector_load %arg7[%swap3A_88, %swap3A_89] {strides = array<i32>} : memref<100x128xf32, #tpu.memory_space<vmem>>, vector<1x16xf32>,
      %swap3A_91 = vector.shape_cast %swap3A_90 : vector<1x16xf32> to vector<16xf32>
      %swap3A_92 = vector.shape_cast %broadcast_in_dim3A_1 : vector<16xf32> to vector<1x16xf32>
      tpu.vector_store %arg7[%swap3A_88, %swap3A_89], %swap3A_92 {strides = array<i32>} : memref<100x128xf32, #tpu.memory_space<vmem>>, vector<1x16xf32>,
      %swap3A_93 = arith.index_cast %scan3A_57 : i32 to index
      %swap3A_94 = arith.constant 112 : index
      %swap3A_95 = tpu.vector_load %arg7[%swap3A_93, %swap3A_94] {strides = array<i32>} : memref<100x128xf32, #tpu.memory_space<vmem>>, vector<1x16xf32>,
      %swap3A_96 = vector.shape_cast %swap3A_95 : vector<1x16xf32> to vector<16xf32>
      %swap3A_97 = vector.shape_cast %broadcast_in_dim3A_1 : vector<16xf32> to vector<1x16xf32>
      tpu.vector_store %arg7[%swap3A_93, %swap3A_94], %swap3A_97 {strides = array<i32>} : memref<100x128xf32, #tpu.memory_space<vmem>>, vector<1x16xf32>,
      %scan3A_98 = arith.constant 0 : i32
      scf.yield %scan3A_98 : i32
    }
    %scan3A_7 = arith.constant 160 : i32
    %scan3A_8 = arith.constant 0 : i32
    %scan3A_9 = arith.constant 0 : i32
    %scan3A_10 = arith.constant 4 : i32
    %scan3A_11 = arith.addi %scan3A_9, %scan3A_10 : i32
    %scan3A_12 = arith.constant 1 : i32
    %scan3A_13 = scf.for %scan3A_57 = %scan3A_9 to %scan3A_11 step %scan3A_12 iter_args(%scan3A_58 = %scan3A_8) -> (i32)  : i32 {
      %mul3A_59 = arith.constant 640 : i32
      %mul3A_60 = arith.muli %arg1, %mul3A_59 : i32
      %mul3A_61 = arith.constant 160 : i32
      %mul3A_62 = arith.muli %scan3A_57, %mul3A_61 : i32
      %add3A_63 = arith.addi %mul3A_60, %mul3A_62 : i32
      "tpu.region"() ({
        %run_scoped3A_65 = tpu.sem_alloc : memref<!tpu.dma_semaphore, #tpu.memory_space<semaphore_mem>>
        %dma_start3A_66 = arith.constant 0 : i32
        %dma_start3A_67 = arith.constant 0 : i32
        %dma_start3A_68 = tpu.memref_slice %arg7[%dma_start3A_66, %dma_start3A_67] : memref<100x128xf32, #tpu.memory_space<vmem>> -> memref<160x128xf32, #tpu.memory_space<vmem>>
        %dma_start3A_69 = arith.constant 0 : i32
        %dma_start3A_70 = tpu.memref_slice %arg6[%add3A_63, %dma_start3A_69] : memref<10240x128xf32, #tpu.memory_space<vmem_shared>> -> memref<160x128xf32, #tpu.memory_space<vmem_shared>>
        %dma_start3A_71 = arith.constant 0 : i32
        %dma_start3A_72 = tpu.memref_slice %arg6[%add3A_63, %dma_start3A_71] : memref<10240x128xf32, #tpu.memory_space<vmem_shared>> -> memref<160x128xf32, #tpu.memory_space<vmem_shared>>
        %dma_start3A_73 = arith.constant 0 : i32
        %dma_start3A_74 = arith.constant 0 : i32
        %dma_start3A_75 = tpu.memref_slice %arg7[%dma_start3A_73, %dma_start3A_74] : memref<100x128xf32, #tpu.memory_space<vmem>> -> memref<160x128xf32, #tpu.memory_space<vmem>>
        tpu.enqueue_dma source(%dma_start3A_75 : memref<160x128xf32, #tpu.memory_space<vmem>>) target(%dma_start3A_72 : memref<160x128xf32, #tpu.memory_space<vmem_shared>>) target_semaphore(%run_scoped3A_65 : memref<!tpu.dma_semaphore, #tpu.memory_space<semaphore_mem>>)
        %dma_wait3A_76 = arith.constant 0 : i32
        %dma_wait3A_77 = arith.constant 0 : i32
        %dma_wait3A_78 = tpu.memref_slice %arg7[%dma_wait3A_76, %dma_wait3A_77] : memref<100x128xf32, #tpu.memory_space<vmem>> -> memref<160x128xf32, #tpu.memory_space<vmem>>
        %dma_wait3A_79 = arith.constant 0 : i32
        %dma_wait3A_80 = tpu.memref_slice %arg6[%add3A_63, %dma_wait3A_79] : memref<10240x128xf32, #tpu.memory_space<vmem_shared>> -> memref<160x128xf32, #tpu.memory_space<vmem_shared>>
        %dma_wait3A_81 = arith.constant 0 : i32
        %dma_wait3A_82 = tpu.memref_slice %arg6[%add3A_63, %dma_wait3A_81] : memref<10240x128xf32, #tpu.memory_space<vmem_shared>> -> memref<160x128xf32, #tpu.memory_space<vmem_shared>>
        %dma_wait3A_83 = arith.constant 0 : i32
        %dma_wait3A_84 = arith.constant 0 : i32
        %dma_wait3A_85 = tpu.memref_slice %arg7[%dma_wait3A_83, %dma_wait3A_84] : memref<100x128xf32, #tpu.memory_space<vmem>> -> memref<160x128xf32, #tpu.memory_space<vmem>>
        tpu.wait_dma2 semaphore(%run_scoped3A_65 : memref<!tpu.dma_semaphore, #tpu.memory_space<semaphore_mem>>) src(%dma_wait3A_85 : memref<160x128xf32, #tpu.memory_space<vmem>>) dst(%dma_wait3A_82 : memref<160x128xf32, #tpu.memory_space<vmem_shared>>)
        tpu.yield
      }) : () -> ()
      %scan3A_64 = arith.constant 0 : i32
      scf.yield %scan3A_64 : i32
    }
    %scan3A_14 = arith.constant 4 : i32
    %barrier3A = arith.constant 0 : index
    tpu.barrier barrier_id(%barrier3A)
    %dma_start3A = arith.constant 0 : i32
    %dma_start3A_15 = arith.constant 0 : i32
    %dma_start3A_16 = tpu.memref_slice %arg9[%dma_start3A, %dma_start3A_15] : memref<100x100xi32, #tpu.memory_space<vmem>> -> memref<1x100xi32, #tpu.memory_space<vmem>>
    %dma_start3A_17 = tpu.memref_squeeze %dma_start3A_16 : memref<1x100xi32, #tpu.memory_space<vmem>> -> memref<100xi32, #tpu.memory_space<vmem>>
    %dma_start3A_18 = arith.constant 0 : i32
    %dma_start3A_19 = arith.constant 0 : i32
    %dma_start3A_20 = tpu.memref_slice %arg2[%dma_start3A_18, %dma_start3A_19] : memref<10240x128xf32, #tpu.memory_space<hbm>> -> memref<10240x128xf32, #tpu.memory_space<hbm>>
    tpu.enqueue_indirect_dma source(%dma_start3A_20 : memref<10240x128xf32, #tpu.memory_space<hbm>>) target(%arg7 : memref<100x128xf32, #tpu.memory_space<vmem>>) offsets(%dma_start3A_17 : memref<100xi32, #tpu.memory_space<vmem>>) semaphore(%arg11 : memref<!tpu.dma_semaphore, #tpu.memory_space<semaphore_mem>>)
    %scan3A_21 = arith.constant 0 : i32
    %scan3A_22 = arith.constant 0 : i32
    %scan3A_23 = arith.constant 49 : i32
    %scan3A_24 = arith.addi %scan3A_22, %scan3A_23 : i32
    %scan3A_25 = arith.constant 1 : i32
    %scan3A_26 = scf.for %scan3A_57 = %scan3A_22 to %scan3A_24 step %scan3A_25 iter_args(%scan3A_58 = %scan3A_21) -> (i32)  : i32 {
      %mul3A_59 = arith.constant 2 : i32
      %mul3A_60 = arith.muli %mul3A_59, %scan3A_57 : i32
      %add3A_61 = arith.constant 1 : i32
      %add3A_62 = arith.addi %mul3A_60, %add3A_61 : i32
      %dma_start3A_63 = arith.constant 0 : i32
      %dma_start3A_64 = tpu.memref_slice %arg9[%add3A_62, %dma_start3A_63] : memref<100x100xi32, #tpu.memory_space<vmem>> -> memref<1x100xi32, #tpu.memory_space<vmem>>
      %dma_start3A_65 = tpu.memref_squeeze %dma_start3A_64 : memref<1x100xi32, #tpu.memory_space<vmem>> -> memref<100xi32, #tpu.memory_space<vmem>>
      %dma_start3A_66 = arith.constant 0 : i32
      %dma_start3A_67 = arith.constant 0 : i32
      %dma_start3A_68 = tpu.memref_slice %arg2[%dma_start3A_66, %dma_start3A_67] : memref<10240x128xf32, #tpu.memory_space<hbm>> -> memref<10240x128xf32, #tpu.memory_space<hbm>>
      tpu.enqueue_indirect_dma source(%dma_start3A_68 : memref<10240x128xf32, #tpu.memory_space<hbm>>) target(%arg8 : memref<100x128xf32, #tpu.memory_space<vmem>>) offsets(%dma_start3A_65 : memref<100xi32, #tpu.memory_space<vmem>>) semaphore(%arg12 : memref<!tpu.dma_semaphore, #tpu.memory_space<semaphore_mem>>)
      %dma_wait3A_69 = arith.constant 0 : i32
      %dma_wait3A_70 = tpu.memref_slice %arg9[%mul3A_60, %dma_wait3A_69] : memref<100x100xi32, #tpu.memory_space<vmem>> -> memref<1x100xi32, #tpu.memory_space<vmem>>
      %dma_wait3A_71 = tpu.memref_squeeze %dma_wait3A_70 : memref<1x100xi32, #tpu.memory_space<vmem>> -> memref<100xi32, #tpu.memory_space<vmem>>
      %dma_wait3A_72 = arith.constant 0 : i32
      %dma_wait3A_73 = arith.constant 0 : i32
      %dma_wait3A_74 = tpu.memref_slice %arg2[%dma_wait3A_72, %dma_wait3A_73] : memref<10240x128xf32, #tpu.memory_space<hbm>> -> memref<10240x128xf32, #tpu.memory_space<hbm>>
      tpu.wait_indirect_dma semaphore(%arg11 : memref<!tpu.dma_semaphore, #tpu.memory_space<semaphore_mem>>) src(%dma_wait3A_74 : memref<10240x128xf32, #tpu.memory_space<hbm>>) dst(%arg7 : memref<100x128xf32, #tpu.memory_space<vmem>>)
      "tpu.region"() ({
        %run_scoped3A_94 = tpu.sem_alloc : memref<!tpu.dma_semaphore, #tpu.memory_space<semaphore_mem>>
        %dma_start3A_95 = arith.constant 0 : i32
        %dma_start3A_96 = tpu.memref_slice %arg10[%mul3A_60, %dma_start3A_95] : memref<100x100xi32, #tpu.memory_space<vmem>> -> memref<1x100xi32, #tpu.memory_space<vmem>>
        %dma_start3A_97 = tpu.memref_squeeze %dma_start3A_96 : memref<1x100xi32, #tpu.memory_space<vmem>> -> memref<100xi32, #tpu.memory_space<vmem>>
        %dma_start3A_98 = arith.constant 0 : i32
        %dma_start3A_99 = arith.constant 0 : i32
        %dma_start3A_100 = tpu.memref_slice %arg6[%dma_start3A_98, %dma_start3A_99] : memref<10240x128xf32, #tpu.memory_space<vmem_shared>> -> memref<10240x128xf32, #tpu.memory_space<vmem_shared>>
        tpu.enqueue_indirect_dma source(%arg7 : memref<100x128xf32, #tpu.memory_space<vmem>>) target(%dma_start3A_100 : memref<10240x128xf32, #tpu.memory_space<vmem_shared>>) offsets(%dma_start3A_97 : memref<100xi32, #tpu.memory_space<vmem>>) semaphore(%run_scoped3A_94 : memref<!tpu.dma_semaphore, #tpu.memory_space<semaphore_mem>>) {add = true}
        %dma_wait3A_101 = arith.constant 0 : i32
        %dma_wait3A_102 = tpu.memref_slice %arg10[%mul3A_60, %dma_wait3A_101] : memref<100x100xi32, #tpu.memory_space<vmem>> -> memref<1x100xi32, #tpu.memory_space<vmem>>
        %dma_wait3A_103 = tpu.memref_squeeze %dma_wait3A_102 : memref<1x100xi32, #tpu.memory_space<vmem>> -> memref<100xi32, #tpu.memory_space<vmem>>
        %dma_wait3A_104 = arith.constant 0 : i32
        %dma_wait3A_105 = arith.constant 0 : i32
        %dma_wait3A_106 = tpu.memref_slice %arg6[%dma_wait3A_104, %dma_wait3A_105] : memref<10240x128xf32, #tpu.memory_space<vmem_shared>> -> memref<10240x128xf32, #tpu.memory_space<vmem_shared>>
        tpu.wait_indirect_dma semaphore(%run_scoped3A_94 : memref<!tpu.dma_semaphore, #tpu.memory_space<semaphore_mem>>) src(%arg7 : memref<100x128xf32, #tpu.memory_space<vmem>>) dst(%dma_wait3A_106 : memref<10240x128xf32, #tpu.memory_space<vmem_shared>>)
        tpu.yield
      }) : () -> ()
      %add3A_75 = arith.constant 2 : i32
      %add3A_76 = arith.addi %mul3A_60, %add3A_75 : i32
      %dma_start3A_77 = arith.constant 0 : i32
      %dma_start3A_78 = tpu.memref_slice %arg9[%add3A_76, %dma_start3A_77] : memref<100x100xi32, #tpu.memory_space<vmem>> -> memref<1x100xi32, #tpu.memory_space<vmem>>
      %dma_start3A_79 = tpu.memref_squeeze %dma_start3A_78 : memref<1x100xi32, #tpu.memory_space<vmem>> -> memref<100xi32, #tpu.memory_space<vmem>>
      %dma_start3A_80 = arith.constant 0 : i32
      %dma_start3A_81 = arith.constant 0 : i32
      %dma_start3A_82 = tpu.memref_slice %arg2[%dma_start3A_80, %dma_start3A_81] : memref<10240x128xf32, #tpu.memory_space<hbm>> -> memref<10240x128xf32, #tpu.memory_space<hbm>>
      tpu.enqueue_indirect_dma source(%dma_start3A_82 : memref<10240x128xf32, #tpu.memory_space<hbm>>) target(%arg7 : memref<100x128xf32, #tpu.memory_space<vmem>>) offsets(%dma_start3A_79 : memref<100xi32, #tpu.memory_space<vmem>>) semaphore(%arg11 : memref<!tpu.dma_semaphore, #tpu.memory_space<semaphore_mem>>)
      %add3A_83 = arith.constant 1 : i32
      %add3A_84 = arith.addi %mul3A_60, %add3A_83 : i32
      %dma_wait3A_85 = arith.constant 0 : i32
      %dma_wait3A_86 = tpu.memref_slice %arg9[%add3A_84, %dma_wait3A_85] : memref<100x100xi32, #tpu.memory_space<vmem>> -> memref<1x100xi32, #tpu.memory_space<vmem>>
      %dma_wait3A_87 = tpu.memref_squeeze %dma_wait3A_86 : memref<1x100xi32, #tpu.memory_space<vmem>> -> memref<100xi32, #tpu.memory_space<vmem>>
      %dma_wait3A_88 = arith.constant 0 : i32
      %dma_wait3A_89 = arith.constant 0 : i32
      %dma_wait3A_90 = tpu.memref_slice %arg2[%dma_wait3A_88, %dma_wait3A_89] : memref<10240x128xf32, #tpu.memory_space<hbm>> -> memref<10240x128xf32, #tpu.memory_space<hbm>>
      tpu.wait_indirect_dma semaphore(%arg12 : memref<!tpu.dma_semaphore, #tpu.memory_space<semaphore_mem>>) src(%dma_wait3A_90 : memref<10240x128xf32, #tpu.memory_space<hbm>>) dst(%arg8 : memref<100x128xf32, #tpu.memory_space<vmem>>)
      %add3A_91 = arith.constant 1 : i32
      %add3A_92 = arith.addi %mul3A_60, %add3A_91 : i32
      "tpu.region"() ({
        %run_scoped3A_94 = tpu.sem_alloc : memref<!tpu.dma_semaphore, #tpu.memory_space<semaphore_mem>>
        %dma_start3A_95 = arith.constant 0 : i32
        %dma_start3A_96 = tpu.memref_slice %arg10[%add3A_92, %dma_start3A_95] : memref<100x100xi32, #tpu.memory_space<vmem>> -> memref<1x100xi32, #tpu.memory_space<vmem>>
        %dma_start3A_97 = tpu.memref_squeeze %dma_start3A_96 : memref<1x100xi32, #tpu.memory_space<vmem>> -> memref<100xi32, #tpu.memory_space<vmem>>
        %dma_start3A_98 = arith.constant 0 : i32
        %dma_start3A_99 = arith.constant 0 : i32
        %dma_start3A_100 = tpu.memref_slice %arg6[%dma_start3A_98, %dma_start3A_99] : memref<10240x128xf32, #tpu.memory_space<vmem_shared>> -> memref<10240x128xf32, #tpu.memory_space<vmem_shared>>
        tpu.enqueue_indirect_dma source(%arg8 : memref<100x128xf32, #tpu.memory_space<vmem>>) target(%dma_start3A_100 : memref<10240x128xf32, #tpu.memory_space<vmem_shared>>) offsets(%dma_start3A_97 : memref<100xi32, #tpu.memory_space<vmem>>) semaphore(%run_scoped3A_94 : memref<!tpu.dma_semaphore, #tpu.memory_space<semaphore_mem>>) {add = true}
        %dma_wait3A_101 = arith.constant 0 : i32
        %dma_wait3A_102 = tpu.memref_slice %arg10[%add3A_92, %dma_wait3A_101] : memref<100x100xi32, #tpu.memory_space<vmem>> -> memref<1x100xi32, #tpu.memory_space<vmem>>
        %dma_wait3A_103 = tpu.memref_squeeze %dma_wait3A_102 : memref<1x100xi32, #tpu.memory_space<vmem>> -> memref<100xi32, #tpu.memory_space<vmem>>
        %dma_wait3A_104 = arith.constant 0 : i32
        %dma_wait3A_105 = arith.constant 0 : i32
        %dma_wait3A_106 = tpu.memref_slice %arg6[%dma_wait3A_104, %dma_wait3A_105] : memref<10240x128xf32, #tpu.memory_space<vmem_shared>> -> memref<10240x128xf32, #tpu.memory_space<vmem_shared>>
        tpu.wait_indirect_dma semaphore(%run_scoped3A_94 : memref<!tpu.dma_semaphore, #tpu.memory_space<semaphore_mem>>) src(%arg8 : memref<100x128xf32, #tpu.memory_space<vmem>>) dst(%dma_wait3A_106 : memref<10240x128xf32, #tpu.memory_space<vmem_shared>>)
        tpu.yield
      }) : () -> ()
      %scan3A_93 = arith.constant 0 : i32
      scf.yield %scan3A_93 : i32
    }
    %scan3A_27 = arith.constant 49 : i32
    %dma_start3A_28 = arith.constant 99 : i32
    %dma_start3A_29 = arith.constant 0 : i32
    %dma_start3A_30 = tpu.memref_slice %arg9[%dma_start3A_28, %dma_start3A_29] : memref<100x100xi32, #tpu.memory_space<vmem>> -> memref<1x100xi32, #tpu.memory_space<vmem>>
    %dma_start3A_31 = tpu.memref_squeeze %dma_start3A_30 : memref<1x100xi32, #tpu.memory_space<vmem>> -> memref<100xi32, #tpu.memory_space<vmem>>
    %dma_start3A_32 = arith.constant 0 : i32
    %dma_start3A_33 = arith.constant 0 : i32
    %dma_start3A_34 = tpu.memref_slice %arg2[%dma_start3A_32, %dma_start3A_33] : memref<10240x128xf32, #tpu.memory_space<hbm>> -> memref<10240x128xf32, #tpu.memory_space<hbm>>
    tpu.enqueue_indirect_dma source(%dma_start3A_34 : memref<10240x128xf32, #tpu.memory_space<hbm>>) target(%arg8 : memref<100x128xf32, #tpu.memory_space<vmem>>) offsets(%dma_start3A_31 : memref<100xi32, #tpu.memory_space<vmem>>) semaphore(%arg12 : memref<!tpu.dma_semaphore, #tpu.memory_space<semaphore_mem>>)
    %dma_wait3A = arith.constant 98 : i32
    %dma_wait3A_35 = arith.constant 0 : i32
    %dma_wait3A_36 = tpu.memref_slice %arg9[%dma_wait3A, %dma_wait3A_35] : memref<100x100xi32, #tpu.memory_space<vmem>> -> memref<1x100xi32, #tpu.memory_space<vmem>>
    %dma_wait3A_37 = tpu.memref_squeeze %dma_wait3A_36 : memref<1x100xi32, #tpu.memory_space<vmem>> -> memref<100xi32, #tpu.memory_space<vmem>>
    %dma_wait3A_38 = arith.constant 0 : i32
    %dma_wait3A_39 = arith.constant 0 : i32
    %dma_wait3A_40 = tpu.memref_slice %arg2[%dma_wait3A_38, %dma_wait3A_39] : memref<10240x128xf32, #tpu.memory_space<hbm>> -> memref<10240x128xf32, #tpu.memory_space<hbm>>
    tpu.wait_indirect_dma semaphore(%arg11 : memref<!tpu.dma_semaphore, #tpu.memory_space<semaphore_mem>>) src(%dma_wait3A_40 : memref<10240x128xf32, #tpu.memory_space<hbm>>) dst(%arg7 : memref<100x128xf32, #tpu.memory_space<vmem>>)
    %run_scoped3A = arith.constant 98 : i32
    "tpu.region"() ({
      %run_scoped3A_57 = tpu.sem_alloc : memref<!tpu.dma_semaphore, #tpu.memory_space<semaphore_mem>>
      %dma_start3A_58 = arith.constant 0 : i32
      %dma_start3A_59 = tpu.memref_slice %arg10[%run_scoped3A, %dma_start3A_58] : memref<100x100xi32, #tpu.memory_space<vmem>> -> memref<1x100xi32, #tpu.memory_space<vmem>>
      %dma_start3A_60 = tpu.memref_squeeze %dma_start3A_59 : memref<1x100xi32, #tpu.memory_space<vmem>> -> memref<100xi32, #tpu.memory_space<vmem>>
      %dma_start3A_61 = arith.constant 0 : i32
      %dma_start3A_62 = arith.constant 0 : i32
      %dma_start3A_63 = tpu.memref_slice %arg6[%dma_start3A_61, %dma_start3A_62] : memref<10240x128xf32, #tpu.memory_space<vmem_shared>> -> memref<10240x128xf32, #tpu.memory_space<vmem_shared>>
      tpu.enqueue_indirect_dma source(%arg7 : memref<100x128xf32, #tpu.memory_space<vmem>>) target(%dma_start3A_63 : memref<10240x128xf32, #tpu.memory_space<vmem_shared>>) offsets(%dma_start3A_60 : memref<100xi32, #tpu.memory_space<vmem>>) semaphore(%run_scoped3A_57 : memref<!tpu.dma_semaphore, #tpu.memory_space<semaphore_mem>>) {add = true}
      %dma_wait3A_64 = arith.constant 0 : i32
      %dma_wait3A_65 = tpu.memref_slice %arg10[%run_scoped3A, %dma_wait3A_64] : memref<100x100xi32, #tpu.memory_space<vmem>> -> memref<1x100xi32, #tpu.memory_space<vmem>>
      %dma_wait3A_66 = tpu.memref_squeeze %dma_wait3A_65 : memref<1x100xi32, #tpu.memory_space<vmem>> -> memref<100xi32, #tpu.memory_space<vmem>>
      %dma_wait3A_67 = arith.constant 0 : i32
      %dma_wait3A_68 = arith.constant 0 : i32
      %dma_wait3A_69 = tpu.memref_slice %arg6[%dma_wait3A_67, %dma_wait3A_68] : memref<10240x128xf32, #tpu.memory_space<vmem_shared>> -> memref<10240x128xf32, #tpu.memory_space<vmem_shared>>
      tpu.wait_indirect_dma semaphore(%run_scoped3A_57 : memref<!tpu.dma_semaphore, #tpu.memory_space<semaphore_mem>>) src(%arg7 : memref<100x128xf32, #tpu.memory_space<vmem>>) dst(%dma_wait3A_69 : memref<10240x128xf32, #tpu.memory_space<vmem_shared>>)
      tpu.yield
    }) : () -> ()
    %dma_wait3A_41 = arith.constant 99 : i32
    %dma_wait3A_42 = arith.constant 0 : i32
    %dma_wait3A_43 = tpu.memref_slice %arg9[%dma_wait3A_41, %dma_wait3A_42] : memref<100x100xi32, #tpu.memory_space<vmem>> -> memref<1x100xi32, #tpu.memory_space<vmem>>
    %dma_wait3A_44 = tpu.memref_squeeze %dma_wait3A_43 : memref<1x100xi32, #tpu.memory_space<vmem>> -> memref<100xi32, #tpu.memory_space<vmem>>
    %dma_wait3A_45 = arith.constant 0 : i32
    %dma_wait3A_46 = arith.constant 0 : i32
    %dma_wait3A_47 = tpu.memref_slice %arg2[%dma_wait3A_45, %dma_wait3A_46] : memref<10240x128xf32, #tpu.memory_space<hbm>> -> memref<10240x128xf32, #tpu.memory_space<hbm>>
    tpu.wait_indirect_dma semaphore(%arg12 : memref<!tpu.dma_semaphore, #tpu.memory_space<semaphore_mem>>) src(%dma_wait3A_47 : memref<10240x128xf32, #tpu.memory_space<hbm>>) dst(%arg8 : memref<100x128xf32, #tpu.memory_space<vmem>>)
    %run_scoped3A_48 = arith.constant 99 : i32
    "tpu.region"() ({
      %run_scoped3A_57 = tpu.sem_alloc : memref<!tpu.dma_semaphore, #tpu.memory_space<semaphore_mem>>
      %dma_start3A_58 = arith.constant 0 : i32
      %dma_start3A_59 = tpu.memref_slice %arg10[%run_scoped3A_48, %dma_start3A_58] : memref<100x100xi32, #tpu.memory_space<vmem>> -> memref<1x100xi32, #tpu.memory_space<vmem>>
      %dma_start3A_60 = tpu.memref_squeeze %dma_start3A_59 : memref<1x100xi32, #tpu.memory_space<vmem>> -> memref<100xi32, #tpu.memory_space<vmem>>
      %dma_start3A_61 = arith.constant 0 : i32
      %dma_start3A_62 = arith.constant 0 : i32
      %dma_start3A_63 = tpu.memref_slice %arg6[%dma_start3A_61, %dma_start3A_62] : memref<10240x128xf32, #tpu.memory_space<vmem_shared>> -> memref<10240x128xf32, #tpu.memory_space<vmem_shared>>
      tpu.enqueue_indirect_dma source(%arg8 : memref<100x128xf32, #tpu.memory_space<vmem>>) target(%dma_start3A_63 : memref<10240x128xf32, #tpu.memory_space<vmem_shared>>) offsets(%dma_start3A_60 : memref<100xi32, #tpu.memory_space<vmem>>) semaphore(%run_scoped3A_57 : memref<!tpu.dma_semaphore, #tpu.memory_space<semaphore_mem>>) {add = true}
      %dma_wait3A_64 = arith.constant 0 : i32
      %dma_wait3A_65 = tpu.memref_slice %arg10[%run_scoped3A_48, %dma_wait3A_64] : memref<100x100xi32, #tpu.memory_space<vmem>> -> memref<1x100xi32, #tpu.memory_space<vmem>>
      %dma_wait3A_66 = tpu.memref_squeeze %dma_wait3A_65 : memref<1x100xi32, #tpu.memory_space<vmem>> -> memref<100xi32, #tpu.memory_space<vmem>>
      %dma_wait3A_67 = arith.constant 0 : i32
      %dma_wait3A_68 = arith.constant 0 : i32
      %dma_wait3A_69 = tpu.memref_slice %arg6[%dma_wait3A_67, %dma_wait3A_68] : memref<10240x128xf32, #tpu.memory_space<vmem_shared>> -> memref<10240x128xf32, #tpu.memory_space<vmem_shared>>
      tpu.wait_indirect_dma semaphore(%run_scoped3A_57 : memref<!tpu.dma_semaphore, #tpu.memory_space<semaphore_mem>>) src(%arg8 : memref<100x128xf32, #tpu.memory_space<vmem>>) dst(%dma_wait3A_69 : memref<10240x128xf32, #tpu.memory_space<vmem_shared>>)
      tpu.yield
    }) : () -> ()
    %barrier3A_49 = arith.constant 0 : index
    tpu.barrier barrier_id(%barrier3A_49)
    %scan3A_50 = arith.constant 0 : i32
    %scan3A_51 = arith.constant 0 : i32
    %scan3A_52 = arith.constant 4 : i32
    %scan3A_53 = arith.addi %scan3A_51, %scan3A_52 : i32
    %scan3A_54 = arith.constant 1 : i32
    %scan3A_55 = scf.for %scan3A_57 = %scan3A_51 to %scan3A_53 step %scan3A_54 iter_args(%scan3A_58 = %scan3A_50) -> (i32)  : i32 {
      %mul3A_59 = arith.constant 640 : i32
      %mul3A_60 = arith.muli %arg1, %mul3A_59 : i32
      %mul3A_61 = arith.constant 160 : i32
      %mul3A_62 = arith.muli %scan3A_57, %mul3A_61 : i32
      %add3A_63 = arith.addi %mul3A_60, %mul3A_62 : i32
      %multiple_of3A = tpu.assume_multiple %add3A_63, 8 : i32
      "tpu.region"() ({
        %run_scoped3A_65 = tpu.sem_alloc : memref<!tpu.dma_semaphore, #tpu.memory_space<semaphore_mem>>
        %dma_start3A_66 = arith.constant 0 : i32
        %dma_start3A_67 = arith.constant 0 : i32
        %dma_start3A_68 = tpu.memref_slice %arg7[%dma_start3A_66, %dma_start3A_67] : memref<100x128xf32, #tpu.memory_space<vmem>> -> memref<160x128xf32, #tpu.memory_space<vmem>>
        %dma_start3A_69 = arith.constant 0 : i32
        %dma_start3A_70 = tpu.memref_slice %arg6[%multiple_of3A, %dma_start3A_69] : memref<10240x128xf32, #tpu.memory_space<vmem_shared>> -> memref<160x128xf32, #tpu.memory_space<vmem_shared>>
        %dma_start3A_71 = arith.constant 0 : i32
        %dma_start3A_72 = arith.constant 0 : i32
        %dma_start3A_73 = tpu.memref_slice %arg7[%dma_start3A_71, %dma_start3A_72] : memref<100x128xf32, #tpu.memory_space<vmem>> -> memref<160x128xf32, #tpu.memory_space<vmem>>
        %dma_start3A_74 = arith.constant 0 : i32
        %dma_start3A_75 = tpu.memref_slice %arg6[%multiple_of3A, %dma_start3A_74] : memref<10240x128xf32, #tpu.memory_space<vmem_shared>> -> memref<160x128xf32, #tpu.memory_space<vmem_shared>>
        tpu.enqueue_dma source(%dma_start3A_75 : memref<160x128xf32, #tpu.memory_space<vmem_shared>>) target(%dma_start3A_73 : memref<160x128xf32, #tpu.memory_space<vmem>>) target_semaphore(%run_scoped3A_65 : memref<!tpu.dma_semaphore, #tpu.memory_space<semaphore_mem>>)
        %dma_wait3A_76 = arith.constant 0 : i32
        %dma_wait3A_77 = arith.constant 0 : i32
        %dma_wait3A_78 = tpu.memref_slice %arg7[%dma_wait3A_76, %dma_wait3A_77] : memref<100x128xf32, #tpu.memory_space<vmem>> -> memref<160x128xf32, #tpu.memory_space<vmem>>
        %dma_wait3A_79 = arith.constant 0 : i32
        %dma_wait3A_80 = tpu.memref_slice %arg6[%multiple_of3A, %dma_wait3A_79] : memref<10240x128xf32, #tpu.memory_space<vmem_shared>> -> memref<160x128xf32, #tpu.memory_space<vmem_shared>>
        %dma_wait3A_81 = arith.constant 0 : i32
        %dma_wait3A_82 = arith.constant 0 : i32
        %dma_wait3A_83 = tpu.memref_slice %arg7[%dma_wait3A_81, %dma_wait3A_82] : memref<100x128xf32, #tpu.memory_space<vmem>> -> memref<160x128xf32, #tpu.memory_space<vmem>>
        %dma_wait3A_84 = arith.constant 0 : i32
        %dma_wait3A_85 = tpu.memref_slice %arg6[%multiple_of3A, %dma_wait3A_84] : memref<10240x128xf32, #tpu.memory_space<vmem_shared>> -> memref<160x128xf32, #tpu.memory_space<vmem_shared>>
        tpu.wait_dma2 semaphore(%run_scoped3A_65 : memref<!tpu.dma_semaphore, #tpu.memory_space<semaphore_mem>>) src(%dma_wait3A_85 : memref<160x128xf32, #tpu.memory_space<vmem_shared>>) dst(%dma_wait3A_83 : memref<160x128xf32, #tpu.memory_space<vmem>>)
        tpu.yield
      }) : () -> ()
      "tpu.region"() ({
        %run_scoped3A_65 = tpu.sem_alloc : memref<!tpu.dma_semaphore, #tpu.memory_space<semaphore_mem>>
        %dma_start3A_66 = arith.constant 0 : i32
        %dma_start3A_67 = arith.constant 0 : i32
        %dma_start3A_68 = tpu.memref_slice %arg7[%dma_start3A_66, %dma_start3A_67] : memref<100x128xf32, #tpu.memory_space<vmem>> -> memref<160x128xf32, #tpu.memory_space<vmem>>
        %dma_start3A_69 = arith.constant 0 : i32
        %dma_start3A_70 = tpu.memref_slice %arg5[%arg0, %multiple_of3A, %dma_start3A_69] : memref<2x10240x128xf32, #tpu.memory_space<hbm>> -> memref<1x160x128xf32, #tpu.memory_space<hbm>>
        %dma_start3A_71 = tpu.memref_squeeze %dma_start3A_70 : memref<1x160x128xf32, #tpu.memory_space<hbm>> -> memref<160x128xf32, #tpu.memory_space<hbm>>
        %dma_start3A_72 = arith.constant 0 : i32
        %dma_start3A_73 = tpu.memref_slice %arg5[%arg0, %multiple_of3A, %dma_start3A_72] : memref<2x10240x128xf32, #tpu.memory_space<hbm>> -> memref<1x160x128xf32, #tpu.memory_space<hbm>>
        %dma_start3A_74 = tpu.memref_squeeze %dma_start3A_73 : memref<1x160x128xf32, #tpu.memory_space<hbm>> -> memref<160x128xf32, #tpu.memory_space<hbm>>
        %dma_start3A_75 = arith.constant 0 : i32
        %dma_start3A_76 = arith.constant 0 : i32
        %dma_start3A_77 = tpu.memref_slice %arg7[%dma_start3A_75, %dma_start3A_76] : memref<100x128xf32, #tpu.memory_space<vmem>> -> memref<160x128xf32, #tpu.memory_space<vmem>>
        tpu.enqueue_dma source(%dma_start3A_77 : memref<160x128xf32, #tpu.memory_space<vmem>>) target(%dma_start3A_74 : memref<160x128xf32, #tpu.memory_space<hbm>>) target_semaphore(%run_scoped3A_65 : memref<!tpu.dma_semaphore, #tpu.memory_space<semaphore_mem>>)
        %dma_wait3A_78 = arith.constant 0 : i32
        %dma_wait3A_79 = arith.constant 0 : i32
        %dma_wait3A_80 = tpu.memref_slice %arg7[%dma_wait3A_78, %dma_wait3A_79] : memref<100x128xf32, #tpu.memory_space<vmem>> -> memref<160x128xf32, #tpu.memory_space<vmem>>
        %dma_wait3A_81 = arith.constant 0 : i32
        %dma_wait3A_82 = tpu.memref_slice %arg5[%arg0, %multiple_of3A, %dma_wait3A_81] : memref<2x10240x128xf32, #tpu.memory_space<hbm>> -> memref<1x160x128xf32, #tpu.memory_space<hbm>>
        %dma_wait3A_83 = tpu.memref_squeeze %dma_wait3A_82 : memref<1x160x128xf32, #tpu.memory_space<hbm>> -> memref<160x128xf32, #tpu.memory_space<hbm>>
        %dma_wait3A_84 = arith.constant 0 : i32
        %dma_wait3A_85 = tpu.memref_slice %arg5[%arg0, %multiple_of3A, %dma_wait3A_84] : memref<2x10240x128xf32, #tpu.memory_space<hbm>> -> memref<1x160x128xf32, #tpu.memory_space<hbm>>
        %dma_wait3A_86 = tpu.memref_squeeze %dma_wait3A_85 : memref<1x160x128xf32, #tpu.memory_space<hbm>> -> memref<160x128xf32, #tpu.memory_space<hbm>>
        %dma_wait3A_87 = arith.constant 0 : i32
        %dma_wait3A_88 = arith.constant 0 : i32
        %dma_wait3A_89 = tpu.memref_slice %arg7[%dma_wait3A_87, %dma_wait3A_88] : memref<100x128xf32, #tpu.memory_space<vmem>> -> memref<160x128xf32, #tpu.memory_space<vmem>>
        tpu.wait_dma2 semaphore(%run_scoped3A_65 : memref<!tpu.dma_semaphore, #tpu.memory_space<semaphore_mem>>) src(%dma_wait3A_89 : memref<160x128xf32, #tpu.memory_space<vmem>>) dst(%dma_wait3A_86 : memref<160x128xf32, #tpu.memory_space<hbm>>)
        tpu.yield
      }) : () -> ()
      %scan3A_64 = arith.constant 0 : i32
      scf.yield %scan3A_64 : i32
    }
    %scan3A_56 = arith.constant 4 : i32
    return
  }
}

module attributes {stable_mosaic.version = 14 : i64} {
  func.func @_tc_pre_body(%arg0: memref<2x10240x16xf32, #tpu.memory_space<vmem>>, %arg1: memref<10000x128xf32, #tpu.memory_space<vmem>>, %arg2: memref<128x128xf32, #tpu.memory_space<vmem>>, %arg3: memref<10240x128xf32, #tpu.memory_space<vmem>>) attributes {dimension_semantics = [], scalar_prefetch = 0 : i64, scratch_operands = 0 : i64, tpu.core_type = #tpu.core_type<tc>} {
    %get3A = arith.constant 0 : index
    %get3A_0 = arith.constant 0 : index
    %get3A_1 = arith.constant 0 : index
    %get3A_2 = vector.load %arg0[%get3A, %get3A_0, %get3A_1] : memref<2x10240x16xf32, #tpu.memory_space<vmem>>, vector<1x10240x1xf32>
    %get3A_3 = vector.shape_cast %get3A_2 : vector<1x10240x1xf32> to vector<10240x1xf32>
    %gt3A = arith.constant 0.000000e+00 : f32
    %gt3A_4 = vector.broadcast %gt3A : f32 to vector<10240x1xf32>
    %gt3A_5 = arith.cmpf ogt, %get3A_3, %gt3A_4 : vector<10240x1xf32>
    %max3A = arith.constant 1.000000e+00 : f32
    %max3A_6 = vector.broadcast %max3A : f32 to vector<10240x1xf32>
    %max3A_7 = arith.maximumf %get3A_3, %max3A_6 : vector<10240x1xf32>
    %rsqrt3A = math.rsqrt %max3A_7 : vector<10240x1xf32>
    %jit3A = arith.constant 0.000000e+00 : f32
    %broadcast_in_dim3A = vector.broadcast %jit3A : f32 to vector<10240x1xf32>
    %select_n3A = arith.select %gt3A_5, %rsqrt3A, %broadcast_in_dim3A : vector<10240x1xi1>, vector<10240x1xf32>
    %get3A_8 = arith.constant 0 : index
    %get3A_9 = arith.constant 0 : index
    %get3A_10 = vector.load %arg1[%get3A_8, %get3A_9] : memref<10000x128xf32, #tpu.memory_space<vmem>>, vector<10000x128xf32>
    %jit3A_11 = arith.constant 0 : i32
    %convert_element_type3A = arith.sitofp %jit3A_11 : i32 to f32
    %pad3A = vector.broadcast %convert_element_type3A : f32 to vector<240x128xf32>
    %pad3A_12 = tpu.concatenate %get3A_10, %pad3A in 0 : vector<10000x128xf32>, vector<240x128xf32> -> vector<10240x128xf32>
    %mul3A = vector.broadcast %select_n3A : vector<10240x1xf32> to vector<10240x128xf32>
    %mul3A_13 = arith.mulf %pad3A_12, %mul3A : vector<10240x128xf32>
    %get3A_14 = arith.constant 0 : index
    %get3A_15 = arith.constant 0 : index
    %get3A_16 = vector.load %arg2[%get3A_14, %get3A_15] : memref<128x128xf32, #tpu.memory_space<vmem>>, vector<128x128xf32>
    %dot_general3A = arith.constant dense<0.000000e+00> : vector<10240x128xf32>
    %dot_general3A_17 = tpu.matmul %mul3A_13, %get3A_16, %dot_general3A {dimension_numbers = #tpu.dot_dimension_numbers<[1], [0], [0], [1], [0, 0, 1, 1], [], []>, transpose_lhs_hint = false} : vector<10240x128xf32>, vector<128x128xf32>, vector<10240x128xf32> -> vector<10240x128xf32>
    %swap3A = arith.constant 0 : index
    %swap3A_18 = arith.constant 0 : index
    %swap3A_19 = vector.load %arg3[%swap3A, %swap3A_18] : memref<10240x128xf32, #tpu.memory_space<vmem>>, vector<10240x128xf32>
    tpu.vector_store %arg3[%swap3A, %swap3A_18], %dot_general3A_17 {strides = array<i32>} : memref<10240x128xf32, #tpu.memory_space<vmem>>, vector<10240x128xf32>,
    return
  }
}

module attributes {stable_mosaic.version = 14 : i64} {
  func.func @_tc_mid_body(%arg0: memref<2x10240x16xf32, #tpu.memory_space<vmem>>, %arg1: memref<2x10240x128xf32, #tpu.memory_space<vmem>>, %arg2: memref<1x128xf32, #tpu.memory_space<vmem>>, %arg3: memref<128x128xf32, #tpu.memory_space<vmem>>, %arg4: memref<10240x128xf32, #tpu.memory_space<vmem>>) attributes {dimension_semantics = [], scalar_prefetch = 0 : i64, scratch_operands = 0 : i64, tpu.core_type = #tpu.core_type<tc>} {
    %get3A = arith.constant 0 : index
    %get3A_0 = arith.constant 0 : index
    %get3A_1 = arith.constant 0 : index
    %get3A_2 = vector.load %arg0[%get3A, %get3A_0, %get3A_1] : memref<2x10240x16xf32, #tpu.memory_space<vmem>>, vector<1x10240x1xf32>
    %get3A_3 = vector.shape_cast %get3A_2 : vector<1x10240x1xf32> to vector<10240x1xf32>
    %get3A_4 = arith.constant 1 : index
    %get3A_5 = arith.constant 0 : index
    %get3A_6 = arith.constant 0 : index
    %get3A_7 = vector.load %arg0[%get3A_4, %get3A_5, %get3A_6] : memref<2x10240x16xf32, #tpu.memory_space<vmem>>, vector<1x10240x1xf32>
    %get3A_8 = vector.shape_cast %get3A_7 : vector<1x10240x1xf32> to vector<10240x1xf32>
    %gt3A = arith.constant 0.000000e+00 : f32
    %gt3A_9 = vector.broadcast %gt3A : f32 to vector<10240x1xf32>
    %gt3A_10 = arith.cmpf ogt, %get3A_3, %gt3A_9 : vector<10240x1xf32>
    %max3A = arith.constant 1.000000e+00 : f32
    %max3A_11 = vector.broadcast %max3A : f32 to vector<10240x1xf32>
    %max3A_12 = arith.maximumf %get3A_3, %max3A_11 : vector<10240x1xf32>
    %rsqrt3A = math.rsqrt %max3A_12 : vector<10240x1xf32>
    %jit3A = arith.constant 0.000000e+00 : f32
    %broadcast_in_dim3A = vector.broadcast %jit3A : f32 to vector<10240x1xf32>
    %select_n3A = arith.select %gt3A_10, %rsqrt3A, %broadcast_in_dim3A : vector<10240x1xi1>, vector<10240x1xf32>
    %gt3A_13 = arith.constant 0.000000e+00 : f32
    %gt3A_14 = vector.broadcast %gt3A_13 : f32 to vector<10240x1xf32>
    %gt3A_15 = arith.cmpf ogt, %get3A_8, %gt3A_14 : vector<10240x1xf32>
    %max3A_16 = arith.constant 1.000000e+00 : f32
    %max3A_17 = vector.broadcast %max3A_16 : f32 to vector<10240x1xf32>
    %max3A_18 = arith.maximumf %get3A_8, %max3A_17 : vector<10240x1xf32>
    %rsqrt3A_19 = math.rsqrt %max3A_18 : vector<10240x1xf32>
    %jit3A_20 = arith.constant 0.000000e+00 : f32
    %broadcast_in_dim3A_21 = vector.broadcast %jit3A_20 : f32 to vector<10240x1xf32>
    %select_n3A_22 = arith.select %gt3A_15, %rsqrt3A_19, %broadcast_in_dim3A_21 : vector<10240x1xi1>, vector<10240x1xf32>
    %get3A_23 = arith.constant 0 : index
    %get3A_24 = arith.constant 0 : index
    %get3A_25 = arith.constant 0 : index
    %get3A_26 = vector.load %arg1[%get3A_23, %get3A_24, %get3A_25] : memref<2x10240x128xf32, #tpu.memory_space<vmem>>, vector<1x10240x128xf32>
    %get3A_27 = vector.shape_cast %get3A_26 : vector<1x10240x128xf32> to vector<10240x128xf32>
    %get3A_28 = arith.constant 1 : index
    %get3A_29 = arith.constant 0 : index
    %get3A_30 = arith.constant 0 : index
    %get3A_31 = vector.load %arg1[%get3A_28, %get3A_29, %get3A_30] : memref<2x10240x128xf32, #tpu.memory_space<vmem>>, vector<1x10240x128xf32>
    %get3A_32 = vector.shape_cast %get3A_31 : vector<1x10240x128xf32> to vector<10240x128xf32>
    %add3A = arith.addf %get3A_27, %get3A_32 : vector<10240x128xf32>
    %mul3A = vector.broadcast %select_n3A_22 : vector<10240x1xf32> to vector<10240x128xf32>
    %mul3A_33 = arith.mulf %mul3A, %add3A : vector<10240x128xf32>
    %get3A_34 = arith.constant 0 : index
    %get3A_35 = arith.constant 0 : index
    %get3A_36 = vector.load %arg2[%get3A_34, %get3A_35] : memref<1x128xf32, #tpu.memory_space<vmem>>, vector<1x128xf32>
    %add3A_37 = vector.broadcast %get3A_36 : vector<1x128xf32> to vector<10240x128xf32>
    %add3A_38 = arith.addf %mul3A_33, %add3A_37 : vector<10240x128xf32>
    %max3A_39 = arith.constant 0.000000e+00 : f32
    %max3A_40 = vector.broadcast %max3A_39 : f32 to vector<10240x128xf32>
    %max3A_41 = arith.maximumf %add3A_38, %max3A_40 : vector<10240x128xf32>
    %mul3A_42 = vector.broadcast %select_n3A : vector<10240x1xf32> to vector<10240x128xf32>
    %mul3A_43 = arith.mulf %max3A_41, %mul3A_42 : vector<10240x128xf32>
    %get3A_44 = arith.constant 0 : index
    %get3A_45 = arith.constant 0 : index
    %get3A_46 = vector.load %arg3[%get3A_44, %get3A_45] : memref<128x128xf32, #tpu.memory_space<vmem>>, vector<128x128xf32>
    %dot_general3A = arith.constant dense<0.000000e+00> : vector<10240x128xf32>
    %dot_general3A_47 = tpu.matmul %mul3A_43, %get3A_46, %dot_general3A {dimension_numbers = #tpu.dot_dimension_numbers<[1], [0], [0], [1], [0, 0, 1, 1], [], []>, transpose_lhs_hint = false} : vector<10240x128xf32>, vector<128x128xf32>, vector<10240x128xf32> -> vector<10240x128xf32>
    %swap3A = arith.constant 0 : index
    %swap3A_48 = arith.constant 0 : index
    %swap3A_49 = vector.load %arg4[%swap3A, %swap3A_48] : memref<10240x128xf32, #tpu.memory_space<vmem>>, vector<10240x128xf32>
    tpu.vector_store %arg4[%swap3A, %swap3A_48], %dot_general3A_47 {strides = array<i32>} : memref<10240x128xf32, #tpu.memory_space<vmem>>, vector<10240x128xf32>,
    return
  }
}

module attributes {stable_mosaic.version = 14 : i64} {
  func.func @_tc_post_body(%arg0: memref<2x10240x16xf32, #tpu.memory_space<vmem>>, %arg1: memref<2x10240x128xf32, #tpu.memory_space<vmem>>, %arg2: memref<1x128xf32, #tpu.memory_space<vmem>>, %arg3: memref<128x10xf32, #tpu.memory_space<vmem>>, %arg4: memref<1x10xf32, #tpu.memory_space<vmem>>, %arg5: memref<1x10xf32, #tpu.memory_space<vmem>>) attributes {dimension_semantics = [], scalar_prefetch = 0 : i64, scratch_operands = 0 : i64, tpu.core_type = #tpu.core_type<tc>} {
    %get3A = arith.constant 1 : index
    %get3A_0 = arith.constant 0 : index
    %get3A_1 = arith.constant 0 : index
    %get3A_2 = vector.load %arg0[%get3A, %get3A_0, %get3A_1] : memref<2x10240x16xf32, #tpu.memory_space<vmem>>, vector<1x10240x1xf32>
    %get3A_3 = vector.shape_cast %get3A_2 : vector<1x10240x1xf32> to vector<10240x1xf32>
    %gt3A = arith.constant 0.000000e+00 : f32
    %gt3A_4 = vector.broadcast %gt3A : f32 to vector<10240x1xf32>
    %gt3A_5 = arith.cmpf ogt, %get3A_3, %gt3A_4 : vector<10240x1xf32>
    %max3A = arith.constant 1.000000e+00 : f32
    %max3A_6 = vector.broadcast %max3A : f32 to vector<10240x1xf32>
    %max3A_7 = arith.maximumf %get3A_3, %max3A_6 : vector<10240x1xf32>
    %rsqrt3A = math.rsqrt %max3A_7 : vector<10240x1xf32>
    %jit3A = arith.constant 0.000000e+00 : f32
    %broadcast_in_dim3A = vector.broadcast %jit3A : f32 to vector<10240x1xf32>
    %select_n3A = arith.select %gt3A_5, %rsqrt3A, %broadcast_in_dim3A : vector<10240x1xi1>, vector<10240x1xf32>
    %get3A_8 = arith.constant 0 : index
    %get3A_9 = arith.constant 0 : index
    %get3A_10 = arith.constant 0 : index
    %get3A_11 = vector.load %arg1[%get3A_8, %get3A_9, %get3A_10] : memref<2x10240x128xf32, #tpu.memory_space<vmem>>, vector<1x10240x128xf32>
    %get3A_12 = vector.shape_cast %get3A_11 : vector<1x10240x128xf32> to vector<10240x128xf32>
    %get3A_13 = arith.constant 1 : index
    %get3A_14 = arith.constant 0 : index
    %get3A_15 = arith.constant 0 : index
    %get3A_16 = vector.load %arg1[%get3A_13, %get3A_14, %get3A_15] : memref<2x10240x128xf32, #tpu.memory_space<vmem>>, vector<1x10240x128xf32>
    %get3A_17 = vector.shape_cast %get3A_16 : vector<1x10240x128xf32> to vector<10240x128xf32>
    %add3A = arith.addf %get3A_12, %get3A_17 : vector<10240x128xf32>
    %mul3A = vector.broadcast %select_n3A : vector<10240x1xf32> to vector<10240x128xf32>
    %mul3A_18 = arith.mulf %mul3A, %add3A : vector<10240x128xf32>
    %get3A_19 = arith.constant 0 : index
    %get3A_20 = arith.constant 0 : index
    %get3A_21 = vector.load %arg2[%get3A_19, %get3A_20] : memref<1x128xf32, #tpu.memory_space<vmem>>, vector<1x128xf32>
    %add3A_22 = vector.broadcast %get3A_21 : vector<1x128xf32> to vector<10240x128xf32>
    %add3A_23 = arith.addf %mul3A_18, %add3A_22 : vector<10240x128xf32>
    %max3A_24 = arith.constant 0.000000e+00 : f32
    %max3A_25 = vector.broadcast %max3A_24 : f32 to vector<10240x128xf32>
    %max3A_26 = arith.maximumf %add3A_23, %max3A_25 : vector<10240x128xf32>
    %iota3A = tpu.iota {dimensions = array<i32: 0>} : vector<10240x1xi32>
    %lt3A = arith.constant 10000 : i32
    %lt3A_27 = vector.broadcast %lt3A : i32 to vector<10240x1xi32>
    %lt3A_28 = arith.cmpi slt, %iota3A, %lt3A_27 : vector<10240x1xi32>
    %jit3A_29 = arith.constant 0.000000e+00 : f32
    %broadcast_in_dim3A_30 = vector.shape_cast %lt3A_28 : vector<10240x1xi1> to vector<10240x1xi1>
    %broadcast_in_dim3A_31 = vector.broadcast %broadcast_in_dim3A_30 : vector<10240x1xi1> to vector<10240x128xi1>
    %broadcast_in_dim3A_32 = vector.broadcast %jit3A_29 : f32 to vector<10240x128xf32>
    %select_n3A_33 = arith.select %broadcast_in_dim3A_31, %max3A_26, %broadcast_in_dim3A_32 : vector<10240x128xi1>, vector<10240x128xf32>
    %reduce_sum3A = arith.constant dense<0.000000e+00> : vector<128xf32>
    %reduce_sum3A_34 = vector.multi_reduction <add>, %select_n3A_33, %reduce_sum3A [0] : vector<10240x128xf32> to vector<128xf32>
    %broadcast_in_dim3A_35 = vector.shape_cast %reduce_sum3A_34 : vector<128xf32> to vector<1x128xf32>
    %mul3A_36 = arith.constant 9.99999974E-5 : f32
    %mul3A_37 = vector.broadcast %mul3A_36 : f32 to vector<1x128xf32>
    %mul3A_38 = arith.mulf %broadcast_in_dim3A_35, %mul3A_37 : vector<1x128xf32>
    %get3A_39 = arith.constant 0 : index
    %get3A_40 = arith.constant 0 : index
    %get3A_41 = vector.load %arg3[%get3A_39, %get3A_40] : memref<128x10xf32, #tpu.memory_space<vmem>>, vector<128x10xf32>
    %dot_general3A = arith.constant dense<0.000000e+00> : vector<1x10xf32>
    %dot_general3A_42 = tpu.matmul %mul3A_38, %get3A_41, %dot_general3A {dimension_numbers = #tpu.dot_dimension_numbers<[1], [0], [0], [1], [0, 0, 1, 1], [], []>, transpose_lhs_hint = false} : vector<1x128xf32>, vector<128x10xf32>, vector<1x10xf32> -> vector<1x10xf32>
    %get3A_43 = arith.constant 0 : index
    %get3A_44 = arith.constant 0 : index
    %get3A_45 = vector.load %arg4[%get3A_43, %get3A_44] : memref<1x10xf32, #tpu.memory_space<vmem>>, vector<1x10xf32>
    %add3A_46 = arith.addf %dot_general3A_42, %get3A_45 : vector<1x10xf32>
    %swap3A = arith.constant 0 : index
    %swap3A_47 = arith.constant 0 : index
    %swap3A_48 = vector.load %arg5[%swap3A, %swap3A_47] : memref<1x10xf32, #tpu.memory_space<vmem>>, vector<1x10xf32>
    tpu.vector_store %arg5[%swap3A, %swap3A_47], %add3A_46 {strides = array<i32>} : memref<1x10xf32, #tpu.memory_space<vmem>>, vector<1x10xf32>,
    return
  }
}

</mosaic_0001>

<sc_bundles>
// kernel: kernel.11.cloned.1.call-start
scs
__scs_entry_jumppad:
0x0: {  	(pc) =	sbr.rel $0x88, $3  }
0x1: {  	(tag) =	ssettag $0x0;
	lr =	simm.s32 $0x1  }
0x2: {  	[smem:$0x3F99] =	sst lr;
	_ =	strace $0xD0000000  }
0x3: {  	_ = 	snop  }
0x4: {  	_ = 	snop  }
0x5: {  	_ = 	snop  }
0x6: {  	_ = 	snop  }
0x7: {  	_ = 	snop  }
__scs_overlays_trampoline_lowered:
0x8: {  	[smem:$0x3FA8] =	sst s0  }
0x9: {  	[smem:$0x3FA9] =	sst s1  }
0xa: {  	[smem:$0x3FAA] =	sst s2  }
0xb: {  	[smem:$0x3FAB] =	sst s3  }
0xc: {  	[smem:$0x3FAC] =	sst s4  }
0xd: {  	[smem:$0x3FAD] =	sst s5  }
0xe: {  	[smem:$0x3FAE] =	sst s6  }
0xf: {  	[smem:$0x3FAF] =	sst s7  }
0x10: {  	[smem:$0x3FB0] =	sst s8  }
0x11: {  	[smem:$0x3FB1] =	sst s9;
	s0 =	simm.s32 @!p0 $0x0  }
0x12: {  	s1 =	sld [smem:$0x3F97];
	s0 =	simm.s32 @p0 $0x1  }
0x13: {  	[smem:$0x3FB2] =	sst s0;
	s0 =	simm.s32 @!p1 $0x0  }
0x14: {  	s2 =	sld [smem:$0x3F96];
	s0 =	simm.s32 @p1 $0x1  }
0x15: {  	[smem:$0x3FB3] =	sst s0;
	s0 =	simm.s32 @!p2 $0x0  }
0x16: {  	s3 =	sld [smem:$0x3FDB];
	s0 =	simm.s32 @p2 $0x1  }
0x17: {  	s4 =	simm.s32 $0x1BF5;
	[smem:$0x3FB5] =	sst s0  }
0x18: {  	s0 =	sld [smem:$0x3F98];
	_ =	swait.ge [sflag:s4], $0x0  }
0x19: {  	s7 =	sld [smem:$0x3F99]  }
0x1a: {  	s8 =	sadd.s32 $0xFFFFE003, lr  }
0x1b: {  	s9 =	sadd.s32 $0xFFFFFEF7, lr;
	s5 =	simm.s32 $0xFFFFFFFF;
	p2 =	slt.u32 s8, $0xFFFFF086  }
0x1c: {  	p1 =	slt.u32 s9, $0xF7A;
	s5 =	simm.s32 @!p2 $0x0  }
0x1d: {  	s5 =	simm.s32 @p1 $0x1;
	p0 =	seq.s32 s7, s2  }
0x1e: {  	s7 =	smul.u32 @!p0 $0xF7A, s2;
	p2 =	seq.s32 @!p0 s5, $0x0  }
0x1f: {  	s9 =	smul.u32 $0xF7A, s1;
	s8 =	simm.s32 @!p0 $0x1BF5;
	p2 =	por !p2, p0  }
0x20: {  	[sflag:s8] =	ssyncset.s32 @!p0 $0xFFFFF086;
	s6 =	sadd.s32 @!p0 s3, s7;
	s7 =	simm.s32 @!p0 $0x108  }
0x21: {  	s3 =	sadd.s32 s3, s9;
	s6 =	sadd.s32 @!p0 $0x88, s6;
	s7 =	simm.s32 @p2 $0x1082  }
0x22: {  	[simem:s7], [sflag:s8] =	dma.local @!p0 [hbm:s6], $0xF7A  }
0x23: {  	s9 =	sor.u32 $0xD0000000, s2;
	s6 =	simm.s32 $0x108;
	_ =	swait.ge @!p0 [sflag:s8], $0x0  }
0x24: {  	s3 =	sadd.s32 $0x88, s3;
	s6 =	simm.s32 @!p1 $0x1082;
	[sflag:s4] =	ssyncset.s32 $0xFFFFF086  }
0x25: {  	[simem:s6], [sflag:s4] =	dma.local [hbm:s3], $0xF7A  }
0x26: {  	[smem:$0x3F99] =	sst s1;
	(tag) =	ssettag s2;
	_ =	strace s9  }
0x27: {  	s1 =	sld [smem:$0x3FA9]  }
0x28: {  	s2 =	sld [smem:$0x3FAA]  }
0x29: {  	s4 =	sld [smem:$0x3FAC]  }
0x2a: {  	p0 =	seq.s32 s5, $0x0;
	s5 =	sld [smem:$0x3FAD]  }
0x2b: {  	s6 =	sld [smem:$0x3FAE]  }
0x2c: {  	s7 =	sld [smem:$0x3FAF]  }
0x2d: {  	s3 =	simm.s32 $0x108;
	s8 =	sld [smem:$0x3FB0]  }
0x2e: {  	s3 =	simm.s32 @!p0 $0x1082;
	s9 =	sld [smem:$0x3FB1]  }
0x2f: {  	lr =	sadd.s32 s0, s3;
	s0 =	sld [smem:$0x3FA8]  }
0x30: {  	s3 =	sld [smem:$0x3FAB]  }
0x31: {  	[smem:$0x3FB4] =	sst s10  }
0x32: {  	s10 =	sld [smem:$0x3FB2];
	_ =	sdelay $0x3  }
0x33: {  	p0 =	seq.s32 s10, $0x1;
	s10 =	sld [smem:$0x3FB4];
	_ =	sdelay $0x3  }
0x34: {  	[smem:$0x3FB4] =	sst s10  }
0x35: {  	s10 =	sld [smem:$0x3FB3];
	_ =	sdelay $0x3  }
0x36: {  	p1 =	seq.s32 s10, $0x1;
	s10 =	sld [smem:$0x3FB4];
	_ =	sdelay $0x3  }
0x37: {  	[smem:$0x3FB4] =	sst s10  }
0x38: {  	s10 =	sld [smem:$0x3FB5]  }
0x39: {  	_ = 	snop;
	(pc) =	sbr.ind lr, $3  }
0x3a: {  	_ = 	snop  }
0x3b: {  	_ = 	snop  }
0x3c: {  	p2 =	seq.s32 s10, $0x1;
	s10 =	sld [smem:$0x3FB4]  }
0x3d: {  	_ =	shalt  }
0x3e: {  	_ =	shalt  }
0x3f: {  	_ =	shalt  }
0x40: {  	_ =	shalt  }
0x41: {  	_ =	shalt  }
0x42: {  	_ =	shalt  }
0x43: {  	_ =	shalt  }
0x44: {  	_ =	shalt  }
0x45: {  	_ =	shalt  }
0x46: {  	_ =	shalt  }
0x47: {  	_ =	shalt  }
0x48: {  	_ =	shalt  }
0x49: {  	_ =	shalt  }
0x4a: {  	_ =	shalt  }
0x4b: {  	_ =	shalt  }
0x4c: {  	_ =	shalt  }
0x4d: {  	_ =	shalt  }
0x4e: {  	_ =	shalt  }
0x4f: {  	_ =	shalt  }
0x50: {  	_ =	shalt  }
0x51: {  	_ =	shalt  }
0x52: {  	_ =	shalt  }
0x53: {  	_ =	shalt  }
0x54: {  	_ =	shalt  }
0x55: {  	_ =	shalt  }
0x56: {  	_ =	shalt  }
0x57: {  	_ =	shalt  }
0x58: {  	_ =	shalt  }
0x59: {  	_ =	shalt  }
0x5a: {  	_ =	shalt  }
0x5b: {  	_ =	shalt  }
0x5c: {  	_ =	shalt  }
0x5d: {  	_ =	shalt  }
0x5e: {  	_ =	shalt  }
0x5f: {  	_ =	shalt  }
0x60: {  	_ =	shalt  }
0x61: {  	_ =	shalt  }
0x62: {  	_ =	shalt  }
0x63: {  	_ =	shalt  }
0x64: {  	_ =	shalt  }
0x65: {  	_ =	shalt  }
0x66: {  	_ =	shalt  }
0x67: {  	_ =	shalt  }
0x68: {  	_ =	shalt  }
0x69: {  	_ =	shalt  }
0x6a: {  	_ =	shalt  }
0x6b: {  	_ =	shalt  }
0x6c: {  	_ =	shalt  }
0x6d: {  	_ =	shalt  }
0x6e: {  	_ =	shalt  }
0x6f: {  	_ =	shalt  }
0x70: {  	_ =	shalt  }
0x71: {  	_ =	shalt  }
0x72: {  	_ =	shalt  }
0x73: {  	_ =	shalt  }
0x74: {  	_ =	shalt  }
0x75: {  	_ =	shalt  }
0x76: {  	_ =	shalt  }
0x77: {  	_ =	shalt  }
0x78: {  	_ =	shalt  }
0x79: {  	_ =	shalt  }
0x7a: {  	_ =	shalt  }
0x7b: {  	_ =	shalt  }
0x7c: {  	_ =	shalt  }
0x7d: {  	_ =	shalt  }
0x7e: {  	_ =	shalt  }
0x7f: {  	_ =	shalt  }
0x80: {  	_ =	shalt  }
0x81: {  	_ =	shalt  }
0x82: {  	_ =	shalt  }
0x83: {  	_ =	shalt  }
0x84: {  	_ =	shalt  }
0x85: {  	_ =	shalt  }
0x86: {  	_ =	shalt  }
0x87: {  	_ =	shalt  }
.Lfunc_end0:
.L_simem_size_0:
called_computation.1_lowered:
.L_overlay_start_0:
0x88: {  	s2 =	sld [smem:$0x3FD9]  }
0x89: {  	s3 =	sld [smem:$0x3FFE];
	_ =	sdelay $0x1  }
0x8a: {  	s1 =	srdreg.scid  }
0x8b: {  	s0 =	sand.u32 $0x1, s1  }
0x8c: {  	s16 =	sshll.u32 s0, $0xA;
	s2 =	sadd.s32 s3, s2  }
0x8d: {  	s2 =	sadd.s32 s2, s16  }
0x8e: {  	[smem:$0x3FC0] =	sst s2  }
0x8f: {  	_ = 	snop  }
0x90: {  	(tm) =	ssettm $0x1  }
0x91: {  	s17 =	sld [smem:$0x3FFB];
	_ =	sdelay $0x3  }
0x92: {  	_ =	strace s17  }
0x93: {  	s2 =	sld [smem:$0x3FFC];
	_ =	sdelay $0x3  }
0x94: {  	_ =	strace s2  }
0x95: {  	s2 =	sld [smem:$0x3FFD];
	_ =	sdelay $0x3  }
0x96: {  	_ =	strace s2  }
0x97: {  	_ =	strace $0x8FFFFFFF  }
0x98: {  	s18 =	sld [smem:$0x3FDB];
	_ =	sdelay $0x1  }
0x99: {  	s19 =	simm.s32 $_scs_section_size  }
0x9a: {  	s4 =	simm.s32 $_size__tile_overlayer_lowered;
	s5 =	simm.s32 $_tile_overlayer_lowered  }
0x9b: {  	s22 =	simm.s32 $0x1BFF;
	s21 =	sshll.u32 s5, $0x1;
	s2 =	sadd.s32 s19, s18  }
0x9c: {  	s6 =	simm.s32 $0x0;
	s20 =	sshll.u32 s4, $0x1;
	s4 =	sadd.s32 s21, s2  }
0x9d: {  	[timem:s6], [sflag:s22] =	dma.local [hbm:s4], s20  }
0x9e: {  	_ =	swait.ge [sflag:s22], s20  }
0x9f: {  	s3 =	ssub.s32 $0x0, s20;
	[sflag:s22] =	ssyncset.done $0x0  }
0xa0: {  	[sflag:s22] =	ssyncadd.s32 s3;
	_ =	sdelay $0x1  }
0xa1: {  	s23 =	simm.s32 $0x1B8B  }
0xa2: {  	_ =	swait.ge [sflag:s23], $0x1  }
0xa3: {  	[sflag:s23] =	ssyncset.done $0x0  }
0xa4: {  	s25 =	simm.s32 $0x1B8E;
	s24 =	sld [smem:$0x3FFE];
	[sflag:s23] =	ssyncadd.s32 $0xFFFFFFFF  }
0xa5: {  	s26 =	simm.s32 $execute0_lowered;
	[smem:$0x3FD2] =	sst s25  }
0xa6: {  	s4 =	sshll.u32 s26, $0x1;
	_ =	strace $0x80000049;
	[dreg:$0x1] =	wrdreg $0xFFFFFFFF  }
0xa7: {  	s28 =	simm.s32 $_size_execute0_lowered;
	s2 =	sadd.s32 s2, s4;
	[dreg:$0x0] =	wrdreg $0x0  }
0xa8: {  	s4 =	sshll.u32 s28, $0x1;
	[dreg:$0x2] =	wrdreg s2  }
0xa9: {  	[dreg:$0x3] =	wrdreg s4  }
0xaa: {  	[dreg:$0x4] =	wrdreg $0xC0  }
0xab: {  	_ =	task [dreg:s6], $0x5FFFF  }
0xac: {  	[dreg:$0x1] =	wrdreg $0xFFFFFFFF  }
0xad: {  	[dreg:$0x0] =	wrdreg $0x60  }
0xae: {  	[dreg:$0x2] =	wrdreg s24  }
0xaf: {  	[dreg:$0x3] =	wrdreg $0x0  }
0xb0: {  	[dreg:$0x4] =	wrdreg $0x9  }
0xb1: {  	_ =	task.clear_ibuf [dreg:s6], $0x5FFFF;
	_ =	strace $0x90000049  }
0xb2: {  	s29 =	simm.s32 $0x9;
	_ =	strace $0x8000004B  }
0xb3: {  	_ =	swait.ge [sflag:s29], $0x1  }
0xb4: {  	[sflag:s29] =	ssyncadd.s32 $0xFFFFFFFF  }
0xb5: {  	_ =	strace $0x9000004B  }
0xb6: {  	_ =	sfence  }
0xb7: {  	s30 =	sld [smem:$0x0];
	_ =	sdelay $0x2  }
0xb8: {  	s31 =	sshll.u32 s1, $0xD;
	s1 =	sshrl.u32 s1, $0x2  }
0xb9: {  	s3 =	sand.u32 $0x4000, s31;
	s1 =	sadd.s32 s1, s30  }
0xba: {  	s0 =	sor.u32 s3, s0;
	s1 =	sshll.u32 s1, $0x11  }
0xbb: {  	s0 =	sor.u32 s1, s0  }
0xbc: {  	s0 =	sadd.s32 $0x8F2B, s0  }
0xbd: {  	[sflag:s0] =	ssyncadd.remote.s32 $0x1  }
0xbe: {  	_ =	sfence.sel $0xFFFF  }
0xbf: {  	[dreg:$0x0] =	wrdreg $0xFFFFFFFF;
	(pc) =	sbr.abs _section_cstart, $3  }
0xc0: {  	[dreg:$0x1] =	wrdreg $0xFFFFFFFF  }
0xc1: {  	_ =	task.clear_ibuf [dreg:s6], $0x2FFFF;
	_ =	strace $0x9FFFFFFF  }
0xc2: {  	(tm) =	ssettm $0x7FFFFFFF  }
0xc3: {  	_ =	shalt  }
tec
execute0_lowered:
.L_overlay_start_1:
0x0: {  	(tag) =	ssettag $0x1  }
0x1: {  	s5 =	rddreg [dreg:$0x0];
	s1 =	srdreg.scid  }
0x2: {  	s0 =	stileid.u32;
	s2 =	rddreg [dreg:$0x1]  }
0x3: {  	s3 =	simm.s32 $0x0;
	s20 =	simm.s32 $0x14000;
	s21 =	simm.s32 $0x64  }
0x4: {  	s22 =	simm.s32 $0x17200;
	s23 =	simm.s32 $0x1;
	s24 =	simm.s32 $0x2  }
0x5: {  	s25 =	simm.s32 $0x1CC38;
	s26 =	simm.s32 $0x1F470;
	s28 =	simm.s32 $0x1F4D8  }
0x6: {  	s29 =	simm.s32 $0x0;
	s7 =	sand.u32 $0x1, s1;
	s11 =	smul.u32 $0x14000, s0  }
0x7: {  	s4 =	sshll.u32 s0, $0x1;
	[smem:$0x7FF] =	sst s3;
	s9 =	smul.u32 $0x50000, s0  }
0x8: {  	s16 =	sadd.s32 $0x5C200, s5;
	s4 =	sor.u32 s7, s4;
	s14 =	smul.u32 $0x140000, s7  }
0x9: {  	_ =	strace $0x8000004A;
	s8 =	ssub.s32 $0x2, s7;
	s6 =	smul.u32 $0x514, s4  }
0xa: {  	s4 =	sadd.s32 $0x34200, s5;
	s31 =	sshrl.u32 s8, $0x1;
	s7 =	sadd.s32 s11, s2  }
0xb: {  	s9 =	sshrl.u32 s9, $0x2;
	s15 =	sadd.s32 $0x5000, s11;
	s17 =	sadd.s32 $0xA000, s11  }
0xc: {  	s18 =	sadd.s32 $0xF000, s11;
	s8 =	ssub.s32 s8, s31;
	s9 =	sadd.s32 s9, s2  }
0xd: {  	s10 =	sadd.s32 s15, s2;
	s12 =	sadd.s32 s14, s11;
	s11 =	sadd.s32 s17, s2  }
0xe: {  	s15 =	sadd.s32 s14, s15;
	s17 =	sadd.s32 s14, s17;
	s14 =	sadd.s32 s14, s18  }
0xf: {  	s6 =	sadd.s32 s6, s5;
	s8 =	smax.u32 s8, $0x1;
	s13 =	sshrl.u32 s12, $0x3  }
0x10: {  	s12 =	sadd.s32 s18, s2;
	s15 =	sshrl.u32 s15, $0x3;
	s17 =	sshrl.u32 s17, $0x3  }
0x11: {  	s18 =	sshrl.u32 s14, $0x3;
	s5 =	sadd.s32 $0x29E00, s6;
	s6 =	sadd.s32 $0x1FA00, s6  }
0x12: {  	s13 =	sadd.s32 s16, s13;
	s14 =	sadd.s32 s16, s15;
	s15 =	sadd.s32 s16, s17  }
0x13: {  	v0 =	vimm.f32 $0.0e+00;
	s16 =	sadd.s32 s16, s18;
	s17 =	simm.s32 $0x1A400;
	s18 =	simm.s32 $0x3  }
.LBB2_1:
0x14: {  	[tilespmem:s17], [sflag:$0x3] =	stream.linear.gather [hbm4b:s5+s3], $0x28A0, $0x38;
	[tilespmem:$0x1F540] =	vst v63  }
0x15: {  	_ =	swait.ge [sflag:s18], $0x28A0  }
0x16: {  	[sflag:s18] =	ssyncset.done $0x0  }
0x17: {  	s0 =	simm.s32 $0x1CCA0;
	[sflag:s18] =	ssyncadd.s32 $0xFFFFD760  }
0x18: {  	[tilespmem:s0], [sflag:$0x3] =	stream.linear.gather [hbm4b:s6+s3], $0x28A0, $0x38;
	[tilespmem:$0x1F540] =	vst v63  }
0x19: {  	_ =	swait.ge [sflag:s18], $0x28A0  }
0x1a: {  	[sflag:s18] =	ssyncset.done $0x0  }
0x1b: {  	s30 =	simm.s32 $0x0;
	s31 =	simm.s32 $0x200;
	[sflag:s18] =	ssyncadd.s32 $0xFFFFD760  }
.LBB2_2:
0x1c: {  	p0 =	sne.s32 s31, $0x13E00;
	[tilespmem:s30+$0x14070] =	vst v0  }
0x1d: {  	[tilespmem:s30+$0x14000] =	vst v0  }
0x1e: {  	[tilespmem:s30+$0x14010] =	vst v0  }
.Ltmp0:
0x1f: {  	[tilespmem:s30+$0x14020] =	vst v0;
	(pc) =	sbr.rel @p0 .LBB2_2-.Ltmp0, $4  }
0x20: {  	[tilespmem:s30+$0x14030] =	vst v0  }
0x21: {  	[tilespmem:s30+$0x14040] =	vst v0  }
0x22: {  	[tilespmem:s30+$0x14050] =	vst v0  }
0x23: {  	[tilespmem:s30+$0x14060] =	vst v0;
	s30 =	sshra.s32 s31, $0x2;
	s31 =	sadd.s32 $0x200, s31  }
0x24: {  	[tilespmem:s30+$0x14070] =	vst v0  }
0x25: {  	[tilespmem:s30+$0x14000] =	vst v0  }
0x26: {  	[tilespmem:s30+$0x14010] =	vst v0  }
0x27: {  	[tilespmem:s30+$0x14020] =	vst v0  }
0x28: {  	[tilespmem:s30+$0x14030] =	vst v0  }
0x29: {  	[tilespmem:s30+$0x14040] =	vst v0  }
0x2a: {  	[tilespmem:s30+$0x14050] =	vst v0  }
0x2b: {  	[tilespmem:s30+$0x14060] =	vst v0  }
0x2c: {  	[spmem:s9] =	stream.linear.scatter [tilespmem:s20], [sflag:$0x3], $0x5000, $0x38;
	[tilespmem:$0x1F540] =	vst v63  }
0x2d: {  	_ =	swait.ge [sflag:s18], $0x5000  }
0x2e: {  	[sflag:s18] =	ssyncset.done $0x0  }
0x2f: {  	[sflag:s18] =	ssyncadd.s32 $0xFFFFB000  }
0x30: {  	[spmem:s10] =	stream.linear.scatter [tilespmem:s20], [sflag:$0x3], $0x5000, $0x38;
	[tilespmem:$0x1F540] =	vst v63  }
0x31: {  	_ =	swait.ge [sflag:s18], $0x5000  }
0x32: {  	[sflag:s18] =	ssyncset.done $0x0  }
0x33: {  	[sflag:s18] =	ssyncadd.s32 $0xFFFFB000  }
0x34: {  	[spmem:s11] =	stream.linear.scatter [tilespmem:s20], [sflag:$0x3], $0x5000, $0x38;
	[tilespmem:$0x1F540] =	vst v63  }
0x35: {  	_ =	swait.ge [sflag:s18], $0x5000  }
0x36: {  	[sflag:s18] =	ssyncset.done $0x0  }
0x37: {  	[sflag:s18] =	ssyncadd.s32 $0xFFFFB000  }
0x38: {  	[spmem:s12] =	stream.linear.scatter [tilespmem:s20], [sflag:$0x3], $0x5000, $0x38;
	[tilespmem:$0x1F540] =	vst v63  }
0x39: {  	_ =	swait.ge [sflag:s18], $0x5000  }
0x3a: {  	[sflag:s18] =	ssyncset.done $0x0  }
0x3b: {  	[sflag:s18] =	ssyncadd.s32 $0xFFFFB000  }
0x3c: {  	[bflag:$0x0] =	sbarrier.arrive $0xFFFF  }
0x3d: {  	[tilespmem:s20], [sflag:$0x1] =	stream.indirect.gather [hbm4b:s4+s21], $0x80, s17, s21, $0xb8;
	[tilespmem:$0x1F540] =	vst v63  }
0x3e: {  	s30 =	simm.s32 $0x1A468  }
0x3f: {  	[tilespmem:s22], [sflag:$0x2] =	stream.indirect.gather [hbm4b:s4+s21], $0x80, s30, s21, $0xb8;
	[tilespmem:$0x1F540] =	vst v63  }
0x40: {  	_ =	swait.ge [sflag:s23], $0x3200  }
0x41: {  	[sflag:s23] =	ssyncset.done $0x0  }
0x42: {  	s30 =	simm.s32 $0x1CCA0;
	[sflag:s23] =	ssyncadd.s32 $0xFFFFCE00  }
0x43: {  	[spmem:s2] =	stream.indirect.scatter.add.f32 [tilespmem:s20], [sflag:$0x3], $0x80, s30, s21, $0xb8;
	[tilespmem:$0x1F540] =	vst v63  }
0x44: {  	_ =	swait.ge [sflag:s18], $0x3200  }
0x45: {  	[sflag:s18] =	ssyncset.done $0x0  }
0x46: {  	s30 =	simm.s32 $0x1A4D0;
	[sflag:s18] =	ssyncadd.s32 $0xFFFFCE00  }
0x47: {  	[tilespmem:s20], [sflag:$0x1] =	stream.indirect.gather [hbm4b:s4+s21], $0x80, s30, s21, $0xb8;
	[tilespmem:$0x1F540] =	vst v63  }
0x48: {  	_ =	swait.ge [sflag:s24], $0x3200  }
0x49: {  	[sflag:s24] =	ssyncset.done $0x0  }
0x4a: {  	s30 =	simm.s32 $0x1CD08;
	[sflag:s24] =	ssyncadd.s32 $0xFFFFCE00  }
0x4b: {  	[spmem:s2] =	stream.indirect.scatter.add.f32 [tilespmem:s22], [sflag:$0x3], $0x80, s30, s21, $0xb8;
	[tilespmem:$0x1F540] =	vst v63  }
0x4c: {  	_ =	swait.ge [sflag:s18], $0x3200  }
0x4d: {  	s31 =	simm.s32 $0x680;
	s30 =	simm.s32 $0xD0;
	[sflag:s18] =	ssyncset.done $0x0  }
.LBB2_4:
0x4e: {  	s1 =	sadd.s32 $0x1A468, s30  }
0x4f: {  	[sflag:s18] =	ssyncadd.s32 $0xFFFFCE00;
	s0 =	smov.u32 s31;
	s19 =	sadd.s32 $0x340, s31  }
0x50: {  	[tilespmem:s22], [sflag:$0x2] =	stream.indirect.gather [hbm4b:s4+s21], $0x80, s1, s21, $0xb8;
	[tilespmem:$0x1F540] =	vst v63  }
0x51: {  	p0 =	sne.s32 s31, $0x9C00;
	_ =	swait.ge [sflag:s23], $0x3200  }
0x52: {  	[sflag:s23] =	ssyncset.done $0x0  }
0x53: {  	s1 =	sadd.s32 $0x1CCA0, s30;
	[sflag:s23] =	ssyncadd.s32 $0xFFFFCE00  }
0x54: {  	[spmem:s2] =	stream.indirect.scatter.add.f32 [tilespmem:s20], [sflag:$0x3], $0x80, s1, s21, $0xb8;
	[tilespmem:$0x1F540] =	vst v63  }
0x55: {  	_ =	swait.ge [sflag:s18], $0x3200  }
0x56: {  	[sflag:s18] =	ssyncset.done $0x0  }
0x57: {  	s1 =	sadd.s32 $0x1A4D0, s30;
	[sflag:s18] =	ssyncadd.s32 $0xFFFFCE00  }
0x58: {  	[tilespmem:s20], [sflag:$0x1] =	stream.indirect.gather [hbm4b:s4+s21], $0x80, s1, s21, $0xb8;
	[tilespmem:$0x1F540] =	vst v63  }
0x59: {  	_ =	swait.ge [sflag:s24], $0x3200  }
.Ltmp1:
0x5a: {  	[sflag:s24] =	ssyncset.done $0x0;
	(pc) =	sbr.rel @p0 .LBB2_4-.Ltmp1, $4  }
0x5b: {  	s1 =	sadd.s32 $0x1CD08, s30;
	[sflag:s24] =	ssyncadd.s32 $0xFFFFCE00  }
0x5c: {  	[spmem:s2] =	stream.indirect.scatter.add.f32 [tilespmem:s22], [sflag:$0x3], $0x80, s1, s21, $0xb8;
	[tilespmem:$0x1F540] =	vst v63  }
0x5d: {  	_ =	swait.ge [sflag:s18], $0x3200  }
0x5e: {  	s31 =	smov.u32 s19;
	s30 =	sshra.s32 s0, $0x2;
	[sflag:s18] =	ssyncset.done $0x0  }
0x5f: {  	s0 =	sadd.s32 $0x1A468, s30;
	[sflag:s18] =	ssyncadd.s32 $0xFFFFCE00  }
0x60: {  	[tilespmem:s22], [sflag:$0x2] =	stream.indirect.gather [hbm4b:s4+s21], $0x80, s0, s21, $0xb8;
	[tilespmem:$0x1F540] =	vst v63  }
0x61: {  	_ =	swait.ge [sflag:s23], $0x3200  }
0x62: {  	[sflag:s23] =	ssyncset.done $0x0  }
0x63: {  	s1 =	sadd.s32 $0x1CCA0, s30;
	[sflag:s23] =	ssyncadd.s32 $0xFFFFCE00  }
0x64: {  	[spmem:s2] =	stream.indirect.scatter.add.f32 [tilespmem:s20], [sflag:$0x3], $0x80, s1, s21, $0xb8;
	[tilespmem:$0x1F540] =	vst v63  }
0x65: {  	_ =	swait.ge [sflag:s18], $0x3200  }
0x66: {  	[sflag:s18] =	ssyncset.done $0x0  }
0x67: {  	s19 =	sadd.s32 $0x1A4D0, s30;
	[sflag:s18] =	ssyncadd.s32 $0xFFFFCE00  }
0x68: {  	[tilespmem:s20], [sflag:$0x1] =	stream.indirect.gather [hbm4b:s4+s21], $0x80, s19, s21, $0xb8;
	[tilespmem:$0x1F540] =	vst v63  }
0x69: {  	_ =	swait.ge [sflag:s24], $0x3200  }
0x6a: {  	[sflag:s24] =	ssyncset.done $0x0  }
0x6b: {  	s31 =	sadd.s32 $0x1CD08, s30;
	[sflag:s24] =	ssyncadd.s32 $0xFFFFCE00  }
0x6c: {  	[spmem:s2] =	stream.indirect.scatter.add.f32 [tilespmem:s22], [sflag:$0x3], $0x80, s31, s21, $0xb8;
	[tilespmem:$0x1F540] =	vst v63  }
0x6d: {  	_ =	swait.ge [sflag:s18], $0x3200  }
0x6e: {  	[sflag:s18] =	ssyncset.done $0x0  }
0x6f: {  	[sflag:s18] =	ssyncadd.s32 $0xFFFFCE00  }
0x70: {  	[tilespmem:s22], [sflag:$0x2] =	stream.indirect.gather [hbm4b:s4+s21], $0x80, s25, s21, $0xb8;
	[tilespmem:$0x1F540] =	vst v63  }
0x71: {  	_ =	swait.ge [sflag:s23], $0x3200  }
0x72: {  	[sflag:s23] =	ssyncset.done $0x0  }
0x73: {  	[sflag:s23] =	ssyncadd.s32 $0xFFFFCE00  }
0x74: {  	[spmem:s2] =	stream.indirect.scatter.add.f32 [tilespmem:s20], [sflag:$0x3], $0x80, s26, s21, $0xb8;
	[tilespmem:$0x1F540] =	vst v63  }
0x75: {  	_ =	swait.ge [sflag:s18], $0x3200  }
0x76: {  	[sflag:s18] =	ssyncset.done $0x0  }
0x77: {  	[sflag:s18] =	ssyncadd.s32 $0xFFFFCE00  }
0x78: {  	_ =	swait.ge [sflag:s24], $0x3200  }
0x79: {  	[sflag:s24] =	ssyncset.done $0x0  }
0x7a: {  	[sflag:s24] =	ssyncadd.s32 $0xFFFFCE00  }
0x7b: {  	[spmem:s2] =	stream.indirect.scatter.add.f32 [tilespmem:s22], [sflag:$0x3], $0x80, s28, s21, $0xb8;
	[tilespmem:$0x1F540] =	vst v63  }
0x7c: {  	_ =	swait.ge [sflag:s18], $0x3200  }
0x7d: {  	[sflag:s18] =	ssyncset.done $0x0  }
0x7e: {  	[sflag:s18] =	ssyncadd.s32 $0xFFFFCE00  }
0x7f: {  	[bflag:$0x0] =	sbarrier.arrive $0xFFFF  }
0x80: {  	[tilespmem:s20], [sflag:$0x3] =	stream.linear.gather [spmem:s7], $0x5000, $0x38;
	[tilespmem:$0x1F540] =	vst v63  }
0x81: {  	_ =	swait.ge [sflag:s18], $0x5000  }
0x82: {  	[sflag:s18] =	ssyncset.done $0x0  }
0x83: {  	[sflag:s18] =	ssyncadd.s32 $0xFFFFB000  }
0x84: {  	[hbm4b:s13+s3] =	stream.linear.scatter [tilespmem:s20], [sflag:$0x3], $0x5000, $0x38;
	[tilespmem:$0x1F540] =	vst v63  }
0x85: {  	_ =	swait.ge [sflag:s18], $0x5000  }
0x86: {  	[sflag:s18] =	ssyncset.done $0x0  }
0x87: {  	[sflag:s18] =	ssyncadd.s32 $0xFFFFB000  }
0x88: {  	[tilespmem:s20], [sflag:$0x3] =	stream.linear.gather [spmem:s10], $0x5000, $0x38;
	[tilespmem:$0x1F540] =	vst v63  }
0x89: {  	_ =	swait.ge [sflag:s18], $0x5000  }
0x8a: {  	[sflag:s18] =	ssyncset.done $0x0  }
0x8b: {  	[sflag:s18] =	ssyncadd.s32 $0xFFFFB000  }
0x8c: {  	[hbm4b:s14+s3] =	stream.linear.scatter [tilespmem:s20], [sflag:$0x3], $0x5000, $0x38;
	[tilespmem:$0x1F540] =	vst v63  }
0x8d: {  	_ =	swait.ge [sflag:s18], $0x5000  }
0x8e: {  	[sflag:s18] =	ssyncset.done $0x0  }
0x8f: {  	[sflag:s18] =	ssyncadd.s32 $0xFFFFB000  }
0x90: {  	[tilespmem:s20], [sflag:$0x3] =	stream.linear.gather [spmem:s11], $0x5000, $0x38;
	[tilespmem:$0x1F540] =	vst v63  }
0x91: {  	_ =	swait.ge [sflag:s18], $0x5000  }
0x92: {  	[sflag:s18] =	ssyncset.done $0x0  }
0x93: {  	[sflag:s18] =	ssyncadd.s32 $0xFFFFB000  }
0x94: {  	[hbm4b:s15+s3] =	stream.linear.scatter [tilespmem:s20], [sflag:$0x3], $0x5000, $0x38;
	[tilespmem:$0x1F540] =	vst v63  }
0x95: {  	_ =	swait.ge [sflag:s18], $0x5000  }
0x96: {  	[sflag:s18] =	ssyncset.done $0x0  }
0x97: {  	[sflag:s18] =	ssyncadd.s32 $0xFFFFB000  }
0x98: {  	[tilespmem:s20], [sflag:$0x3] =	stream.linear.gather [spmem:s12], $0x5000, $0x38;
	[tilespmem:$0x1F540] =	vst v63  }
0x99: {  	s29 =	sadd.s32 $0x1, s29;
	_ =	swait.ge [sflag:s18], $0x5000  }
0x9a: {  	p0 =	sne.s32 s29, s8;
	[sflag:s18] =	ssyncset.done $0x0  }
.Ltmp2:
0x9b: {  	[sflag:s18] =	ssyncadd.s32 $0xFFFFB000;
	(pc) =	sbr.rel @p0 .LBB2_1-.Ltmp2, $4  }
0x9c: {  	[hbm4b:s16+s3] =	stream.linear.scatter [tilespmem:s20], [sflag:$0x3], $0x5000, $0x38;
	[tilespmem:$0x1F540] =	vst v63  }
0x9d: {  	_ =	swait.ge [sflag:s18], $0x5000  }
0x9e: {  	[sflag:s18] =	ssyncset.done $0x0  }
0x9f: {  	[sflag:s18] =	ssyncadd.s32 $0xFFFFB000  }
0xa0: {  	_ =	sfence.sel $0x180000  }
0xa1: {  	[bflag:$0x0] =	sbarrier.arrive $0xFFFF  }
0xa2: {  	_ =	strace $0x9000004A  }
0xa3: {  	s0 =	stileid.u32;
	[bflag:$0x2] =	sbarrier.arrive $0xFFFF  }
0xa4: {  	p0 =	sne.s32 s0, $0x0;
	s0 =	rddreg [dreg:$0x2]  }
0xa5: {  	s0 =	sadd.s32 @!p0 $0x100000, s0  }
0xa6: {  	[sflag:s0] =	ssyncadd.tile.s32 @!p0 $0x1;
	_ =	shalt  }
.Lfunc_end2:
_tile_overlayer_lowered:
.L_overlay_start_2:
0xa7: {  	(tag) =	ssettag $0x2  }
0xa8: {  	s0 =	rddreg [dreg:$0x0];
	s2 =	stileid.u32  }
0xa9: {  	s1 =	rddreg [dreg:$0x1];
	p0 =	sne.s32 s2, $0x0  }
0xaa: {  	s3 =	rddreg [dreg:$0x2];
	[bflag:$0x3] =	sbarrier.arrive $0xFFFF;
	s2 =	simm.s32 @!p0 $0x1C03  }
0xab: {  	[timem:s3], [sflag:s2] =	dma.local @!p0 [hbm:s0], s1  }
0xac: {  	s0 =	simm.s32 @!p0 $0x3  }
0xad: {  	_ =	swait.ge @!p0 [sflag:s0], s1  }
0xae: {  	s1 =	ssub.s32 @!p0 $0x0, s1;
	[sflag:s0] =	ssyncset.done @!p0 $0x0  }
0xaf: {  	[sflag:s0] =	ssyncadd.s32 @!p0 s1  }
0xb0: {  	[bflag:$0x3] =	sbarrier.arrive $0xFFFF  }
0xb1: {  	_ =	shalt  }

// kernel: kernel.14.cloned.1.call-start
scs
__scs_entry_jumppad:
0x0: {  	(pc) =	sbr.rel $0x88, $3  }
0x1: {  	(tag) =	ssettag $0x0;
	lr =	simm.s32 $0x1  }
0x2: {  	[smem:$0x3F99] =	sst lr;
	_ =	strace $0xD0000000  }
0x3: {  	_ = 	snop  }
0x4: {  	_ = 	snop  }
0x5: {  	_ = 	snop  }
0x6: {  	_ = 	snop  }
0x7: {  	_ = 	snop  }
__scs_overlays_trampoline_lowered:
0x8: {  	[smem:$0x3FA8] =	sst s0  }
0x9: {  	[smem:$0x3FA9] =	sst s1  }
0xa: {  	[smem:$0x3FAA] =	sst s2  }
0xb: {  	[smem:$0x3FAB] =	sst s3  }
0xc: {  	[smem:$0x3FAC] =	sst s4  }
0xd: {  	[smem:$0x3FAD] =	sst s5  }
0xe: {  	[smem:$0x3FAE] =	sst s6  }
0xf: {  	[smem:$0x3FAF] =	sst s7  }
0x10: {  	[smem:$0x3FB0] =	sst s8  }
0x11: {  	[smem:$0x3FB1] =	sst s9;
	s0 =	simm.s32 @!p0 $0x0  }
0x12: {  	s1 =	sld [smem:$0x3F97];
	s0 =	simm.s32 @p0 $0x1  }
0x13: {  	[smem:$0x3FB2] =	sst s0;
	s0 =	simm.s32 @!p1 $0x0  }
0x14: {  	s2 =	sld [smem:$0x3F96];
	s0 =	simm.s32 @p1 $0x1  }
0x15: {  	[smem:$0x3FB3] =	sst s0;
	s0 =	simm.s32 @!p2 $0x0  }
0x16: {  	s3 =	sld [smem:$0x3FDB];
	s0 =	simm.s32 @p2 $0x1  }
0x17: {  	s4 =	simm.s32 $0x1BF5;
	[smem:$0x3FB5] =	sst s0  }
0x18: {  	s0 =	sld [smem:$0x3F98];
	_ =	swait.ge [sflag:s4], $0x0  }
0x19: {  	s7 =	sld [smem:$0x3F99]  }
0x1a: {  	s8 =	sadd.s32 $0xFFFFE003, lr  }
0x1b: {  	s9 =	sadd.s32 $0xFFFFFEF7, lr;
	s5 =	simm.s32 $0xFFFFFFFF;
	p2 =	slt.u32 s8, $0xFFFFF086  }
0x1c: {  	p1 =	slt.u32 s9, $0xF7A;
	s5 =	simm.s32 @!p2 $0x0  }
0x1d: {  	s5 =	simm.s32 @p1 $0x1;
	p0 =	seq.s32 s7, s2  }
0x1e: {  	s7 =	smul.u32 @!p0 $0xF7A, s2;
	p2 =	seq.s32 @!p0 s5, $0x0  }
0x1f: {  	s9 =	smul.u32 $0xF7A, s1;
	s8 =	simm.s32 @!p0 $0x1BF5;
	p2 =	por !p2, p0  }
0x20: {  	[sflag:s8] =	ssyncset.s32 @!p0 $0xFFFFF086;
	s6 =	sadd.s32 @!p0 s3, s7;
	s7 =	simm.s32 @!p0 $0x108  }
0x21: {  	s3 =	sadd.s32 s3, s9;
	s6 =	sadd.s32 @!p0 $0x88, s6;
	s7 =	simm.s32 @p2 $0x1082  }
0x22: {  	[simem:s7], [sflag:s8] =	dma.local @!p0 [hbm:s6], $0xF7A  }
0x23: {  	s9 =	sor.u32 $0xD0000000, s2;
	s6 =	simm.s32 $0x108;
	_ =	swait.ge @!p0 [sflag:s8], $0x0  }
0x24: {  	s3 =	sadd.s32 $0x88, s3;
	s6 =	simm.s32 @!p1 $0x1082;
	[sflag:s4] =	ssyncset.s32 $0xFFFFF086  }
0x25: {  	[simem:s6], [sflag:s4] =	dma.local [hbm:s3], $0xF7A  }
0x26: {  	[smem:$0x3F99] =	sst s1;
	(tag) =	ssettag s2;
	_ =	strace s9  }
0x27: {  	s1 =	sld [smem:$0x3FA9]  }
0x28: {  	s2 =	sld [smem:$0x3FAA]  }
0x29: {  	s4 =	sld [smem:$0x3FAC]  }
0x2a: {  	p0 =	seq.s32 s5, $0x0;
	s5 =	sld [smem:$0x3FAD]  }
0x2b: {  	s6 =	sld [smem:$0x3FAE]  }
0x2c: {  	s7 =	sld [smem:$0x3FAF]  }
0x2d: {  	s3 =	simm.s32 $0x108;
	s8 =	sld [smem:$0x3FB0]  }
0x2e: {  	s3 =	simm.s32 @!p0 $0x1082;
	s9 =	sld [smem:$0x3FB1]  }
0x2f: {  	lr =	sadd.s32 s0, s3;
	s0 =	sld [smem:$0x3FA8]  }
0x30: {  	s3 =	sld [smem:$0x3FAB]  }
0x31: {  	[smem:$0x3FB4] =	sst s10  }
0x32: {  	s10 =	sld [smem:$0x3FB2];
	_ =	sdelay $0x3  }
0x33: {  	p0 =	seq.s32 s10, $0x1;
	s10 =	sld [smem:$0x3FB4];
	_ =	sdelay $0x3  }
0x34: {  	[smem:$0x3FB4] =	sst s10  }
0x35: {  	s10 =	sld [smem:$0x3FB3];
	_ =	sdelay $0x3  }
0x36: {  	p1 =	seq.s32 s10, $0x1;
	s10 =	sld [smem:$0x3FB4];
	_ =	sdelay $0x3  }
0x37: {  	[smem:$0x3FB4] =	sst s10  }
0x38: {  	s10 =	sld [smem:$0x3FB5]  }
0x39: {  	_ = 	snop;
	(pc) =	sbr.ind lr, $3  }
0x3a: {  	_ = 	snop  }
0x3b: {  	_ = 	snop  }
0x3c: {  	p2 =	seq.s32 s10, $0x1;
	s10 =	sld [smem:$0x3FB4]  }
0x3d: {  	_ =	shalt  }
0x3e: {  	_ =	shalt  }
0x3f: {  	_ =	shalt  }
0x40: {  	_ =	shalt  }
0x41: {  	_ =	shalt  }
0x42: {  	_ =	shalt  }
0x43: {  	_ =	shalt  }
0x44: {  	_ =	shalt  }
0x45: {  	_ =	shalt  }
0x46: {  	_ =	shalt  }
0x47: {  	_ =	shalt  }
0x48: {  	_ =	shalt  }
0x49: {  	_ =	shalt  }
0x4a: {  	_ =	shalt  }
0x4b: {  	_ =	shalt  }
0x4c: {  	_ =	shalt  }
0x4d: {  	_ =	shalt  }
0x4e: {  	_ =	shalt  }
0x4f: {  	_ =	shalt  }
0x50: {  	_ =	shalt  }
0x51: {  	_ =	shalt  }
0x52: {  	_ =	shalt  }
0x53: {  	_ =	shalt  }
0x54: {  	_ =	shalt  }
0x55: {  	_ =	shalt  }
0x56: {  	_ =	shalt  }
0x57: {  	_ =	shalt  }
0x58: {  	_ =	shalt  }
0x59: {  	_ =	shalt  }
0x5a: {  	_ =	shalt  }
0x5b: {  	_ =	shalt  }
0x5c: {  	_ =	shalt  }
0x5d: {  	_ =	shalt  }
0x5e: {  	_ =	shalt  }
0x5f: {  	_ =	shalt  }
0x60: {  	_ =	shalt  }
0x61: {  	_ =	shalt  }
0x62: {  	_ =	shalt  }
0x63: {  	_ =	shalt  }
0x64: {  	_ =	shalt  }
0x65: {  	_ =	shalt  }
0x66: {  	_ =	shalt  }
0x67: {  	_ =	shalt  }
0x68: {  	_ =	shalt  }
0x69: {  	_ =	shalt  }
0x6a: {  	_ =	shalt  }
0x6b: {  	_ =	shalt  }
0x6c: {  	_ =	shalt  }
0x6d: {  	_ =	shalt  }
0x6e: {  	_ =	shalt  }
0x6f: {  	_ =	shalt  }
0x70: {  	_ =	shalt  }
0x71: {  	_ =	shalt  }
0x72: {  	_ =	shalt  }
0x73: {  	_ =	shalt  }
0x74: {  	_ =	shalt  }
0x75: {  	_ =	shalt  }
0x76: {  	_ =	shalt  }
0x77: {  	_ =	shalt  }
0x78: {  	_ =	shalt  }
0x79: {  	_ =	shalt  }
0x7a: {  	_ =	shalt  }
0x7b: {  	_ =	shalt  }
0x7c: {  	_ =	shalt  }
0x7d: {  	_ =	shalt  }
0x7e: {  	_ =	shalt  }
0x7f: {  	_ =	shalt  }
0x80: {  	_ =	shalt  }
0x81: {  	_ =	shalt  }
0x82: {  	_ =	shalt  }
0x83: {  	_ =	shalt  }
0x84: {  	_ =	shalt  }
0x85: {  	_ =	shalt  }
0x86: {  	_ =	shalt  }
0x87: {  	_ =	shalt  }
.Lfunc_end0:
.L_simem_size_0:
called_computation.2_lowered:
.L_overlay_start_0:
0x88: {  	s2 =	sld [smem:$0x3FD9]  }
0x89: {  	s3 =	sld [smem:$0x3FFE];
	_ =	sdelay $0x1  }
0x8a: {  	s1 =	srdreg.scid  }
0x8b: {  	s0 =	sand.u32 $0x1, s1  }
0x8c: {  	s16 =	sshll.u32 s0, $0xA;
	s2 =	sadd.s32 s3, s2  }
0x8d: {  	s2 =	sadd.s32 s2, s16  }
0x8e: {  	[smem:$0x3FC0] =	sst s2  }
0x8f: {  	_ = 	snop  }
0x90: {  	(tm) =	ssettm $0x1  }
0x91: {  	s17 =	sld [smem:$0x3FFB];
	_ =	sdelay $0x3  }
0x92: {  	_ =	strace s17  }
0x93: {  	s2 =	sld [smem:$0x3FFC];
	_ =	sdelay $0x3  }
0x94: {  	_ =	strace s2  }
0x95: {  	s2 =	sld [smem:$0x3FFD];
	_ =	sdelay $0x3  }
0x96: {  	_ =	strace s2  }
0x97: {  	_ =	strace $0x8FFFFFFF  }
0x98: {  	s18 =	sld [smem:$0x3FDB];
	_ =	sdelay $0x1  }
0x99: {  	s19 =	simm.s32 $_scs_section_size  }
0x9a: {  	s4 =	simm.s32 $_size__tile_overlayer_lowered;
	s5 =	simm.s32 $_tile_overlayer_lowered  }
0x9b: {  	s22 =	simm.s32 $0x1BFF;
	s21 =	sshll.u32 s5, $0x1;
	s2 =	sadd.s32 s19, s18  }
0x9c: {  	s6 =	simm.s32 $0x0;
	s20 =	sshll.u32 s4, $0x1;
	s4 =	sadd.s32 s21, s2  }
0x9d: {  	[timem:s6], [sflag:s22] =	dma.local [hbm:s4], s20  }
0x9e: {  	_ =	swait.ge [sflag:s22], s20  }
0x9f: {  	s3 =	ssub.s32 $0x0, s20;
	[sflag:s22] =	ssyncset.done $0x0  }
0xa0: {  	[sflag:s22] =	ssyncadd.s32 s3;
	_ =	sdelay $0x1  }
0xa1: {  	s23 =	simm.s32 $0x1B8B  }
0xa2: {  	_ =	swait.ge [sflag:s23], $0x1  }
0xa3: {  	[sflag:s23] =	ssyncset.done $0x0  }
0xa4: {  	s25 =	simm.s32 $0x1B8E;
	s24 =	sld [smem:$0x3FFE];
	[sflag:s23] =	ssyncadd.s32 $0xFFFFFFFF  }
0xa5: {  	s26 =	simm.s32 $execute0_lowered;
	[smem:$0x3FD2] =	sst s25  }
0xa6: {  	s4 =	sshll.u32 s26, $0x1;
	_ =	strace $0x8000004C;
	[dreg:$0x1] =	wrdreg $0xFFFFFFFF  }
0xa7: {  	s28 =	simm.s32 $_size_execute0_lowered;
	s2 =	sadd.s32 s2, s4;
	[dreg:$0x0] =	wrdreg $0x0  }
0xa8: {  	s4 =	sshll.u32 s28, $0x1;
	[dreg:$0x2] =	wrdreg s2  }
0xa9: {  	[dreg:$0x3] =	wrdreg s4  }
0xaa: {  	[dreg:$0x4] =	wrdreg $0xC0  }
0xab: {  	_ =	task [dreg:s6], $0x5FFFF  }
0xac: {  	[dreg:$0x1] =	wrdreg $0xFFFFFFFF  }
0xad: {  	[dreg:$0x0] =	wrdreg $0x60  }
0xae: {  	[dreg:$0x2] =	wrdreg s24  }
0xaf: {  	[dreg:$0x3] =	wrdreg $0x0  }
0xb0: {  	[dreg:$0x4] =	wrdreg $0x9  }
0xb1: {  	_ =	task.clear_ibuf [dreg:s6], $0x5FFFF;
	_ =	strace $0x9000004C  }
0xb2: {  	s29 =	simm.s32 $0x9;
	_ =	strace $0x8000004E  }
0xb3: {  	_ =	swait.ge [sflag:s29], $0x1  }
0xb4: {  	[sflag:s29] =	ssyncadd.s32 $0xFFFFFFFF  }
0xb5: {  	_ =	strace $0x9000004E  }
0xb6: {  	_ =	sfence  }
0xb7: {  	s30 =	sld [smem:$0x0];
	_ =	sdelay $0x2  }
0xb8: {  	s31 =	sshll.u32 s1, $0xD;
	s1 =	sshrl.u32 s1, $0x2  }
0xb9: {  	s3 =	sand.u32 $0x4000, s31;
	s1 =	sadd.s32 s1, s30  }
0xba: {  	s0 =	sor.u32 s3, s0;
	s1 =	sshll.u32 s1, $0x11  }
0xbb: {  	s0 =	sor.u32 s1, s0  }
0xbc: {  	s0 =	sadd.s32 $0x8F2B, s0  }
0xbd: {  	[sflag:s0] =	ssyncadd.remote.s32 $0x1  }
0xbe: {  	_ =	sfence.sel $0xFFFF  }
0xbf: {  	[dreg:$0x0] =	wrdreg $0xFFFFFFFF;
	(pc) =	sbr.abs _section_cstart, $3  }
0xc0: {  	[dreg:$0x1] =	wrdreg $0xFFFFFFFF  }
0xc1: {  	_ =	task.clear_ibuf [dreg:s6], $0x2FFFF;
	_ =	strace $0x9FFFFFFF  }
0xc2: {  	(tm) =	ssettm $0x7FFFFFFF  }
0xc3: {  	_ =	shalt  }
tec
execute0_lowered:
.L_overlay_start_1:
0x0: {  	(tag) =	ssettag $0x1  }
0x1: {  	s5 =	rddreg [dreg:$0x0];
	s1 =	srdreg.scid  }
0x2: {  	s0 =	stileid.u32;
	s2 =	rddreg [dreg:$0x1]  }
0x3: {  	s3 =	simm.s32 $0x0;
	s20 =	simm.s32 $0x14000;
	s21 =	simm.s32 $0x64  }
0x4: {  	s22 =	simm.s32 $0x17200;
	s23 =	simm.s32 $0x1;
	s24 =	simm.s32 $0x2  }
0x5: {  	s25 =	simm.s32 $0x1CC38;
	s26 =	simm.s32 $0x1F470;
	s28 =	simm.s32 $0x1F4D8  }
0x6: {  	s29 =	simm.s32 $0x0;
	s7 =	sand.u32 $0x1, s1;
	s11 =	smul.u32 $0x14000, s0  }
0x7: {  	s4 =	sshll.u32 s0, $0x1;
	[smem:$0x7FF] =	sst s3;
	s9 =	smul.u32 $0x50000, s0  }
0x8: {  	s16 =	sadd.s32 $0x5C200, s5;
	s4 =	sor.u32 s7, s4;
	s14 =	smul.u32 $0x140000, s7  }
0x9: {  	_ =	strace $0x8000004D;
	s8 =	ssub.s32 $0x2, s7;
	s6 =	smul.u32 $0x514, s4  }
0xa: {  	s4 =	sadd.s32 $0x34200, s5;
	s31 =	sshrl.u32 s8, $0x1;
	s7 =	sadd.s32 s11, s2  }
0xb: {  	s9 =	sshrl.u32 s9, $0x2;
	s15 =	sadd.s32 $0x5000, s11;
	s17 =	sadd.s32 $0xA000, s11  }
0xc: {  	s18 =	sadd.s32 $0xF000, s11;
	s8 =	ssub.s32 s8, s31;
	s9 =	sadd.s32 s9, s2  }
0xd: {  	s10 =	sadd.s32 s15, s2;
	s12 =	sadd.s32 s14, s11;
	s11 =	sadd.s32 s17, s2  }
0xe: {  	s15 =	sadd.s32 s14, s15;
	s17 =	sadd.s32 s14, s17;
	s14 =	sadd.s32 s14, s18  }
0xf: {  	s6 =	sadd.s32 s6, s5;
	s8 =	smax.u32 s8, $0x1;
	s13 =	sshrl.u32 s12, $0x3  }
0x10: {  	s12 =	sadd.s32 s18, s2;
	s15 =	sshrl.u32 s15, $0x3;
	s17 =	sshrl.u32 s17, $0x3  }
0x11: {  	s18 =	sshrl.u32 s14, $0x3;
	s5 =	sadd.s32 $0x29E00, s6;
	s6 =	sadd.s32 $0x1FA00, s6  }
0x12: {  	s13 =	sadd.s32 s16, s13;
	s14 =	sadd.s32 s16, s15;
	s15 =	sadd.s32 s16, s17  }
0x13: {  	v0 =	vimm.f32 $0.0e+00;
	s16 =	sadd.s32 s16, s18;
	s17 =	simm.s32 $0x1A400;
	s18 =	simm.s32 $0x3  }
.LBB2_1:
0x14: {  	[tilespmem:s17], [sflag:$0x3] =	stream.linear.gather [hbm4b:s5+s3], $0x28A0, $0x38;
	[tilespmem:$0x1F540] =	vst v63  }
0x15: {  	_ =	swait.ge [sflag:s18], $0x28A0  }
0x16: {  	[sflag:s18] =	ssyncset.done $0x0  }
0x17: {  	s0 =	simm.s32 $0x1CCA0;
	[sflag:s18] =	ssyncadd.s32 $0xFFFFD760  }
0x18: {  	[tilespmem:s0], [sflag:$0x3] =	stream.linear.gather [hbm4b:s6+s3], $0x28A0, $0x38;
	[tilespmem:$0x1F540] =	vst v63  }
0x19: {  	_ =	swait.ge [sflag:s18], $0x28A0  }
0x1a: {  	[sflag:s18] =	ssyncset.done $0x0  }
0x1b: {  	s30 =	simm.s32 $0x0;
	s31 =	simm.s32 $0x200;
	[sflag:s18] =	ssyncadd.s32 $0xFFFFD760  }
.LBB2_2:
0x1c: {  	p0 =	sne.s32 s31, $0x13E00;
	[tilespmem:s30+$0x14070] =	vst v0  }
0x1d: {  	[tilespmem:s30+$0x14000] =	vst v0  }
0x1e: {  	[tilespmem:s30+$0x14010] =	vst v0  }
.Ltmp0:
0x1f: {  	[tilespmem:s30+$0x14020] =	vst v0;
	(pc) =	sbr.rel @p0 .LBB2_2-.Ltmp0, $4  }
0x20: {  	[tilespmem:s30+$0x14030] =	vst v0  }
0x21: {  	[tilespmem:s30+$0x14040] =	vst v0  }
0x22: {  	[tilespmem:s30+$0x14050] =	vst v0  }
0x23: {  	[tilespmem:s30+$0x14060] =	vst v0;
	s30 =	sshra.s32 s31, $0x2;
	s31 =	sadd.s32 $0x200, s31  }
0x24: {  	[tilespmem:s30+$0x14070] =	vst v0  }
0x25: {  	[tilespmem:s30+$0x14000] =	vst v0  }
0x26: {  	[tilespmem:s30+$0x14010] =	vst v0  }
0x27: {  	[tilespmem:s30+$0x14020] =	vst v0  }
0x28: {  	[tilespmem:s30+$0x14030] =	vst v0  }
0x29: {  	[tilespmem:s30+$0x14040] =	vst v0  }
0x2a: {  	[tilespmem:s30+$0x14050] =	vst v0  }
0x2b: {  	[tilespmem:s30+$0x14060] =	vst v0  }
0x2c: {  	[spmem:s9] =	stream.linear.scatter [tilespmem:s20], [sflag:$0x3], $0x5000, $0x38;
	[tilespmem:$0x1F540] =	vst v63  }
0x2d: {  	_ =	swait.ge [sflag:s18], $0x5000  }
0x2e: {  	[sflag:s18] =	ssyncset.done $0x0  }
0x2f: {  	[sflag:s18] =	ssyncadd.s32 $0xFFFFB000  }
0x30: {  	[spmem:s10] =	stream.linear.scatter [tilespmem:s20], [sflag:$0x3], $0x5000, $0x38;
	[tilespmem:$0x1F540] =	vst v63  }
0x31: {  	_ =	swait.ge [sflag:s18], $0x5000  }
0x32: {  	[sflag:s18] =	ssyncset.done $0x0  }
0x33: {  	[sflag:s18] =	ssyncadd.s32 $0xFFFFB000  }
0x34: {  	[spmem:s11] =	stream.linear.scatter [tilespmem:s20], [sflag:$0x3], $0x5000, $0x38;
	[tilespmem:$0x1F540] =	vst v63  }
0x35: {  	_ =	swait.ge [sflag:s18], $0x5000  }
0x36: {  	[sflag:s18] =	ssyncset.done $0x0  }
0x37: {  	[sflag:s18] =	ssyncadd.s32 $0xFFFFB000  }
0x38: {  	[spmem:s12] =	stream.linear.scatter [tilespmem:s20], [sflag:$0x3], $0x5000, $0x38;
	[tilespmem:$0x1F540] =	vst v63  }
0x39: {  	_ =	swait.ge [sflag:s18], $0x5000  }
0x3a: {  	[sflag:s18] =	ssyncset.done $0x0  }
0x3b: {  	[sflag:s18] =	ssyncadd.s32 $0xFFFFB000  }
0x3c: {  	[bflag:$0x0] =	sbarrier.arrive $0xFFFF  }
0x3d: {  	[tilespmem:s20], [sflag:$0x1] =	stream.indirect.gather [hbm4b:s4+s21], $0x80, s17, s21, $0xb8;
	[tilespmem:$0x1F540] =	vst v63  }
0x3e: {  	s30 =	simm.s32 $0x1A468  }
0x3f: {  	[tilespmem:s22], [sflag:$0x2] =	stream.indirect.gather [hbm4b:s4+s21], $0x80, s30, s21, $0xb8;
	[tilespmem:$0x1F540] =	vst v63  }
0x40: {  	_ =	swait.ge [sflag:s23], $0x3200  }
0x41: {  	[sflag:s23] =	ssyncset.done $0x0  }
0x42: {  	s30 =	simm.s32 $0x1CCA0;
	[sflag:s23] =	ssyncadd.s32 $0xFFFFCE00  }
0x43: {  	[spmem:s2] =	stream.indirect.scatter.add.f32 [tilespmem:s20], [sflag:$0x3], $0x80, s30, s21, $0xb8;
	[tilespmem:$0x1F540] =	vst v63  }
0x44: {  	_ =	swait.ge [sflag:s18], $0x3200  }
0x45: {  	[sflag:s18] =	ssyncset.done $0x0  }
0x46: {  	s30 =	simm.s32 $0x1A4D0;
	[sflag:s18] =	ssyncadd.s32 $0xFFFFCE00  }
0x47: {  	[tilespmem:s20], [sflag:$0x1] =	stream.indirect.gather [hbm4b:s4+s21], $0x80, s30, s21, $0xb8;
	[tilespmem:$0x1F540] =	vst v63  }
0x48: {  	_ =	swait.ge [sflag:s24], $0x3200  }
0x49: {  	[sflag:s24] =	ssyncset.done $0x0  }
0x4a: {  	s30 =	simm.s32 $0x1CD08;
	[sflag:s24] =	ssyncadd.s32 $0xFFFFCE00  }
0x4b: {  	[spmem:s2] =	stream.indirect.scatter.add.f32 [tilespmem:s22], [sflag:$0x3], $0x80, s30, s21, $0xb8;
	[tilespmem:$0x1F540] =	vst v63  }
0x4c: {  	_ =	swait.ge [sflag:s18], $0x3200  }
0x4d: {  	s31 =	simm.s32 $0x680;
	s30 =	simm.s32 $0xD0;
	[sflag:s18] =	ssyncset.done $0x0  }
.LBB2_4:
0x4e: {  	s1 =	sadd.s32 $0x1A468, s30  }
0x4f: {  	[sflag:s18] =	ssyncadd.s32 $0xFFFFCE00;
	s0 =	smov.u32 s31;
	s19 =	sadd.s32 $0x340, s31  }
0x50: {  	[tilespmem:s22], [sflag:$0x2] =	stream.indirect.gather [hbm4b:s4+s21], $0x80, s1, s21, $0xb8;
	[tilespmem:$0x1F540] =	vst v63  }
0x51: {  	p0 =	sne.s32 s31, $0x9C00;
	_ =	swait.ge [sflag:s23], $0x3200  }
0x52: {  	[sflag:s23] =	ssyncset.done $0x0  }
0x53: {  	s1 =	sadd.s32 $0x1CCA0, s30;
	[sflag:s23] =	ssyncadd.s32 $0xFFFFCE00  }
0x54: {  	[spmem:s2] =	stream.indirect.scatter.add.f32 [tilespmem:s20], [sflag:$0x3], $0x80, s1, s21, $0xb8;
	[tilespmem:$0x1F540] =	vst v63  }
0x55: {  	_ =	swait.ge [sflag:s18], $0x3200  }
0x56: {  	[sflag:s18] =	ssyncset.done $0x0  }
0x57: {  	s1 =	sadd.s32 $0x1A4D0, s30;
	[sflag:s18] =	ssyncadd.s32 $0xFFFFCE00  }
0x58: {  	[tilespmem:s20], [sflag:$0x1] =	stream.indirect.gather [hbm4b:s4+s21], $0x80, s1, s21, $0xb8;
	[tilespmem:$0x1F540] =	vst v63  }
0x59: {  	_ =	swait.ge [sflag:s24], $0x3200  }
.Ltmp1:
0x5a: {  	[sflag:s24] =	ssyncset.done $0x0;
	(pc) =	sbr.rel @p0 .LBB2_4-.Ltmp1, $4  }
0x5b: {  	s1 =	sadd.s32 $0x1CD08, s30;
	[sflag:s24] =	ssyncadd.s32 $0xFFFFCE00  }
0x5c: {  	[spmem:s2] =	stream.indirect.scatter.add.f32 [tilespmem:s22], [sflag:$0x3], $0x80, s1, s21, $0xb8;
	[tilespmem:$0x1F540] =	vst v63  }
0x5d: {  	_ =	swait.ge [sflag:s18], $0x3200  }
0x5e: {  	s31 =	smov.u32 s19;
	s30 =	sshra.s32 s0, $0x2;
	[sflag:s18] =	ssyncset.done $0x0  }
0x5f: {  	s0 =	sadd.s32 $0x1A468, s30;
	[sflag:s18] =	ssyncadd.s32 $0xFFFFCE00  }
0x60: {  	[tilespmem:s22], [sflag:$0x2] =	stream.indirect.gather [hbm4b:s4+s21], $0x80, s0, s21, $0xb8;
	[tilespmem:$0x1F540] =	vst v63  }
0x61: {  	_ =	swait.ge [sflag:s23], $0x3200  }
0x62: {  	[sflag:s23] =	ssyncset.done $0x0  }
0x63: {  	s1 =	sadd.s32 $0x1CCA0, s30;
	[sflag:s23] =	ssyncadd.s32 $0xFFFFCE00  }
0x64: {  	[spmem:s2] =	stream.indirect.scatter.add.f32 [tilespmem:s20], [sflag:$0x3], $0x80, s1, s21, $0xb8;
	[tilespmem:$0x1F540] =	vst v63  }
0x65: {  	_ =	swait.ge [sflag:s18], $0x3200  }
0x66: {  	[sflag:s18] =	ssyncset.done $0x0  }
0x67: {  	s19 =	sadd.s32 $0x1A4D0, s30;
	[sflag:s18] =	ssyncadd.s32 $0xFFFFCE00  }
0x68: {  	[tilespmem:s20], [sflag:$0x1] =	stream.indirect.gather [hbm4b:s4+s21], $0x80, s19, s21, $0xb8;
	[tilespmem:$0x1F540] =	vst v63  }
0x69: {  	_ =	swait.ge [sflag:s24], $0x3200  }
0x6a: {  	[sflag:s24] =	ssyncset.done $0x0  }
0x6b: {  	s31 =	sadd.s32 $0x1CD08, s30;
	[sflag:s24] =	ssyncadd.s32 $0xFFFFCE00  }
0x6c: {  	[spmem:s2] =	stream.indirect.scatter.add.f32 [tilespmem:s22], [sflag:$0x3], $0x80, s31, s21, $0xb8;
	[tilespmem:$0x1F540] =	vst v63  }
0x6d: {  	_ =	swait.ge [sflag:s18], $0x3200  }
0x6e: {  	[sflag:s18] =	ssyncset.done $0x0  }
0x6f: {  	[sflag:s18] =	ssyncadd.s32 $0xFFFFCE00  }
0x70: {  	[tilespmem:s22], [sflag:$0x2] =	stream.indirect.gather [hbm4b:s4+s21], $0x80, s25, s21, $0xb8;
	[tilespmem:$0x1F540] =	vst v63  }
0x71: {  	_ =	swait.ge [sflag:s23], $0x3200  }
0x72: {  	[sflag:s23] =	ssyncset.done $0x0  }
0x73: {  	[sflag:s23] =	ssyncadd.s32 $0xFFFFCE00  }
0x74: {  	[spmem:s2] =	stream.indirect.scatter.add.f32 [tilespmem:s20], [sflag:$0x3], $0x80, s26, s21, $0xb8;
	[tilespmem:$0x1F540] =	vst v63  }
0x75: {  	_ =	swait.ge [sflag:s18], $0x3200  }
0x76: {  	[sflag:s18] =	ssyncset.done $0x0  }
0x77: {  	[sflag:s18] =	ssyncadd.s32 $0xFFFFCE00  }
0x78: {  	_ =	swait.ge [sflag:s24], $0x3200  }
0x79: {  	[sflag:s24] =	ssyncset.done $0x0  }
0x7a: {  	[sflag:s24] =	ssyncadd.s32 $0xFFFFCE00  }
0x7b: {  	[spmem:s2] =	stream.indirect.scatter.add.f32 [tilespmem:s22], [sflag:$0x3], $0x80, s28, s21, $0xb8;
	[tilespmem:$0x1F540] =	vst v63  }
0x7c: {  	_ =	swait.ge [sflag:s18], $0x3200  }
0x7d: {  	[sflag:s18] =	ssyncset.done $0x0  }
0x7e: {  	[sflag:s18] =	ssyncadd.s32 $0xFFFFCE00  }
0x7f: {  	[bflag:$0x0] =	sbarrier.arrive $0xFFFF  }
0x80: {  	[tilespmem:s20], [sflag:$0x3] =	stream.linear.gather [spmem:s7], $0x5000, $0x38;
	[tilespmem:$0x1F540] =	vst v63  }
0x81: {  	_ =	swait.ge [sflag:s18], $0x5000  }
0x82: {  	[sflag:s18] =	ssyncset.done $0x0  }
0x83: {  	[sflag:s18] =	ssyncadd.s32 $0xFFFFB000  }
0x84: {  	[hbm4b:s13+s3] =	stream.linear.scatter [tilespmem:s20], [sflag:$0x3], $0x5000, $0x38;
	[tilespmem:$0x1F540] =	vst v63  }
0x85: {  	_ =	swait.ge [sflag:s18], $0x5000  }
0x86: {  	[sflag:s18] =	ssyncset.done $0x0  }
0x87: {  	[sflag:s18] =	ssyncadd.s32 $0xFFFFB000  }
0x88: {  	[tilespmem:s20], [sflag:$0x3] =	stream.linear.gather [spmem:s10], $0x5000, $0x38;
	[tilespmem:$0x1F540] =	vst v63  }
0x89: {  	_ =	swait.ge [sflag:s18], $0x5000  }
0x8a: {  	[sflag:s18] =	ssyncset.done $0x0  }
0x8b: {  	[sflag:s18] =	ssyncadd.s32 $0xFFFFB000  }
0x8c: {  	[hbm4b:s14+s3] =	stream.linear.scatter [tilespmem:s20], [sflag:$0x3], $0x5000, $0x38;
	[tilespmem:$0x1F540] =	vst v63  }
0x8d: {  	_ =	swait.ge [sflag:s18], $0x5000  }
0x8e: {  	[sflag:s18] =	ssyncset.done $0x0  }
0x8f: {  	[sflag:s18] =	ssyncadd.s32 $0xFFFFB000  }
0x90: {  	[tilespmem:s20], [sflag:$0x3] =	stream.linear.gather [spmem:s11], $0x5000, $0x38;
	[tilespmem:$0x1F540] =	vst v63  }
0x91: {  	_ =	swait.ge [sflag:s18], $0x5000  }
0x92: {  	[sflag:s18] =	ssyncset.done $0x0  }
0x93: {  	[sflag:s18] =	ssyncadd.s32 $0xFFFFB000  }
0x94: {  	[hbm4b:s15+s3] =	stream.linear.scatter [tilespmem:s20], [sflag:$0x3], $0x5000, $0x38;
	[tilespmem:$0x1F540] =	vst v63  }
0x95: {  	_ =	swait.ge [sflag:s18], $0x5000  }
0x96: {  	[sflag:s18] =	ssyncset.done $0x0  }
0x97: {  	[sflag:s18] =	ssyncadd.s32 $0xFFFFB000  }
0x98: {  	[tilespmem:s20], [sflag:$0x3] =	stream.linear.gather [spmem:s12], $0x5000, $0x38;
	[tilespmem:$0x1F540] =	vst v63  }
0x99: {  	s29 =	sadd.s32 $0x1, s29;
	_ =	swait.ge [sflag:s18], $0x5000  }
0x9a: {  	p0 =	sne.s32 s29, s8;
	[sflag:s18] =	ssyncset.done $0x0  }
.Ltmp2:
0x9b: {  	[sflag:s18] =	ssyncadd.s32 $0xFFFFB000;
	(pc) =	sbr.rel @p0 .LBB2_1-.Ltmp2, $4  }
0x9c: {  	[hbm4b:s16+s3] =	stream.linear.scatter [tilespmem:s20], [sflag:$0x3], $0x5000, $0x38;
	[tilespmem:$0x1F540] =	vst v63  }
0x9d: {  	_ =	swait.ge [sflag:s18], $0x5000  }
0x9e: {  	[sflag:s18] =	ssyncset.done $0x0  }
0x9f: {  	[sflag:s18] =	ssyncadd.s32 $0xFFFFB000  }
0xa0: {  	_ =	sfence.sel $0x180000  }
0xa1: {  	[bflag:$0x0] =	sbarrier.arrive $0xFFFF  }
0xa2: {  	_ =	strace $0x9000004D  }
0xa3: {  	s0 =	stileid.u32;
	[bflag:$0x2] =	sbarrier.arrive $0xFFFF  }
0xa4: {  	p0 =	sne.s32 s0, $0x0;
	s0 =	rddreg [dreg:$0x2]  }
0xa5: {  	s0 =	sadd.s32 @!p0 $0x100000, s0  }
0xa6: {  	[sflag:s0] =	ssyncadd.tile.s32 @!p0 $0x1;
	_ =	shalt  }
.Lfunc_end2:
_tile_overlayer_lowered:
.L_overlay_start_2:
0xa7: {  	(tag) =	ssettag $0x2  }
0xa8: {  	s0 =	rddreg [dreg:$0x0];
	s2 =	stileid.u32  }
0xa9: {  	s1 =	rddreg [dreg:$0x1];
	p0 =	sne.s32 s2, $0x0  }
0xaa: {  	s3 =	rddreg [dreg:$0x2];
	[bflag:$0x3] =	sbarrier.arrive $0xFFFF;
	s2 =	simm.s32 @!p0 $0x1C03  }
0xab: {  	[timem:s3], [sflag:s2] =	dma.local @!p0 [hbm:s0], s1  }
0xac: {  	s0 =	simm.s32 @!p0 $0x3  }
0xad: {  	_ =	swait.ge @!p0 [sflag:s0], s1  }
0xae: {  	s1 =	ssub.s32 @!p0 $0x0, s1;
	[sflag:s0] =	ssyncset.done @!p0 $0x0  }
0xaf: {  	[sflag:s0] =	ssyncadd.s32 @!p0 s1  }
0xb0: {  	[bflag:$0x3] =	sbarrier.arrive $0xFFFF  }
0xb1: {  	_ =	shalt  }

// kernel: kernel.8.cloned.1.call-start
scs
__scs_entry_jumppad:
0x0: {  	(pc) =	sbr.rel $0x88, $3  }
0x1: {  	(tag) =	ssettag $0x0;
	lr =	simm.s32 $0x1  }
0x2: {  	[smem:$0x3F99] =	sst lr;
	_ =	strace $0xD0000000  }
0x3: {  	_ = 	snop  }
0x4: {  	_ = 	snop  }
0x5: {  	_ = 	snop  }
0x6: {  	_ = 	snop  }
0x7: {  	_ = 	snop  }
__scs_overlays_trampoline_lowered:
0x8: {  	[smem:$0x3FA8] =	sst s0  }
0x9: {  	[smem:$0x3FA9] =	sst s1  }
0xa: {  	[smem:$0x3FAA] =	sst s2  }
0xb: {  	[smem:$0x3FAB] =	sst s3  }
0xc: {  	[smem:$0x3FAC] =	sst s4  }
0xd: {  	[smem:$0x3FAD] =	sst s5  }
0xe: {  	[smem:$0x3FAE] =	sst s6  }
0xf: {  	[smem:$0x3FAF] =	sst s7  }
0x10: {  	[smem:$0x3FB0] =	sst s8  }
0x11: {  	[smem:$0x3FB1] =	sst s9;
	s0 =	simm.s32 @!p0 $0x0  }
0x12: {  	s1 =	sld [smem:$0x3F97];
	s0 =	simm.s32 @p0 $0x1  }
0x13: {  	[smem:$0x3FB2] =	sst s0;
	s0 =	simm.s32 @!p1 $0x0  }
0x14: {  	s2 =	sld [smem:$0x3F96];
	s0 =	simm.s32 @p1 $0x1  }
0x15: {  	[smem:$0x3FB3] =	sst s0;
	s0 =	simm.s32 @!p2 $0x0  }
0x16: {  	s3 =	sld [smem:$0x3FDB];
	s0 =	simm.s32 @p2 $0x1  }
0x17: {  	s4 =	simm.s32 $0x1BF5;
	[smem:$0x3FB5] =	sst s0  }
0x18: {  	s0 =	sld [smem:$0x3F98];
	_ =	swait.ge [sflag:s4], $0x0  }
0x19: {  	s7 =	sld [smem:$0x3F99]  }
0x1a: {  	s8 =	sadd.s32 $0xFFFFE003, lr  }
0x1b: {  	s9 =	sadd.s32 $0xFFFFFEF7, lr;
	s5 =	simm.s32 $0xFFFFFFFF;
	p2 =	slt.u32 s8, $0xFFFFF086  }
0x1c: {  	p1 =	slt.u32 s9, $0xF7A;
	s5 =	simm.s32 @!p2 $0x0  }
0x1d: {  	s5 =	simm.s32 @p1 $0x1;
	p0 =	seq.s32 s7, s2  }
0x1e: {  	s7 =	smul.u32 @!p0 $0xF7A, s2;
	p2 =	seq.s32 @!p0 s5, $0x0  }
0x1f: {  	s9 =	smul.u32 $0xF7A, s1;
	s8 =	simm.s32 @!p0 $0x1BF5;
	p2 =	por !p2, p0  }
0x20: {  	[sflag:s8] =	ssyncset.s32 @!p0 $0xFFFFF086;
	s6 =	sadd.s32 @!p0 s3, s7;
	s7 =	simm.s32 @!p0 $0x108  }
0x21: {  	s3 =	sadd.s32 s3, s9;
	s6 =	sadd.s32 @!p0 $0x88, s6;
	s7 =	simm.s32 @p2 $0x1082  }
0x22: {  	[simem:s7], [sflag:s8] =	dma.local @!p0 [hbm:s6], $0xF7A  }
0x23: {  	s9 =	sor.u32 $0xD0000000, s2;
	s6 =	simm.s32 $0x108;
	_ =	swait.ge @!p0 [sflag:s8], $0x0  }
0x24: {  	s3 =	sadd.s32 $0x88, s3;
	s6 =	simm.s32 @!p1 $0x1082;
	[sflag:s4] =	ssyncset.s32 $0xFFFFF086  }
0x25: {  	[simem:s6], [sflag:s4] =	dma.local [hbm:s3], $0xF7A  }
0x26: {  	[smem:$0x3F99] =	sst s1;
	(tag) =	ssettag s2;
	_ =	strace s9  }
0x27: {  	s1 =	sld [smem:$0x3FA9]  }
0x28: {  	s2 =	sld [smem:$0x3FAA]  }
0x29: {  	s4 =	sld [smem:$0x3FAC]  }
0x2a: {  	p0 =	seq.s32 s5, $0x0;
	s5 =	sld [smem:$0x3FAD]  }
0x2b: {  	s6 =	sld [smem:$0x3FAE]  }
0x2c: {  	s7 =	sld [smem:$0x3FAF]  }
0x2d: {  	s3 =	simm.s32 $0x108;
	s8 =	sld [smem:$0x3FB0]  }
0x2e: {  	s3 =	simm.s32 @!p0 $0x1082;
	s9 =	sld [smem:$0x3FB1]  }
0x2f: {  	lr =	sadd.s32 s0, s3;
	s0 =	sld [smem:$0x3FA8]  }
0x30: {  	s3 =	sld [smem:$0x3FAB]  }
0x31: {  	[smem:$0x3FB4] =	sst s10  }
0x32: {  	s10 =	sld [smem:$0x3FB2];
	_ =	sdelay $0x3  }
0x33: {  	p0 =	seq.s32 s10, $0x1;
	s10 =	sld [smem:$0x3FB4];
	_ =	sdelay $0x3  }
0x34: {  	[smem:$0x3FB4] =	sst s10  }
0x35: {  	s10 =	sld [smem:$0x3FB3];
	_ =	sdelay $0x3  }
0x36: {  	p1 =	seq.s32 s10, $0x1;
	s10 =	sld [smem:$0x3FB4];
	_ =	sdelay $0x3  }
0x37: {  	[smem:$0x3FB4] =	sst s10  }
0x38: {  	s10 =	sld [smem:$0x3FB5]  }
0x39: {  	_ = 	snop;
	(pc) =	sbr.ind lr, $3  }
0x3a: {  	_ = 	snop  }
0x3b: {  	_ = 	snop  }
0x3c: {  	p2 =	seq.s32 s10, $0x1;
	s10 =	sld [smem:$0x3FB4]  }
0x3d: {  	_ =	shalt  }
0x3e: {  	_ =	shalt  }
0x3f: {  	_ =	shalt  }
0x40: {  	_ =	shalt  }
0x41: {  	_ =	shalt  }
0x42: {  	_ =	shalt  }
0x43: {  	_ =	shalt  }
0x44: {  	_ =	shalt  }
0x45: {  	_ =	shalt  }
0x46: {  	_ =	shalt  }
0x47: {  	_ =	shalt  }
0x48: {  	_ =	shalt  }
0x49: {  	_ =	shalt  }
0x4a: {  	_ =	shalt  }
0x4b: {  	_ =	shalt  }
0x4c: {  	_ =	shalt  }
0x4d: {  	_ =	shalt  }
0x4e: {  	_ =	shalt  }
0x4f: {  	_ =	shalt  }
0x50: {  	_ =	shalt  }
0x51: {  	_ =	shalt  }
0x52: {  	_ =	shalt  }
0x53: {  	_ =	shalt  }
0x54: {  	_ =	shalt  }
0x55: {  	_ =	shalt  }
0x56: {  	_ =	shalt  }
0x57: {  	_ =	shalt  }
0x58: {  	_ =	shalt  }
0x59: {  	_ =	shalt  }
0x5a: {  	_ =	shalt  }
0x5b: {  	_ =	shalt  }
0x5c: {  	_ =	shalt  }
0x5d: {  	_ =	shalt  }
0x5e: {  	_ =	shalt  }
0x5f: {  	_ =	shalt  }
0x60: {  	_ =	shalt  }
0x61: {  	_ =	shalt  }
0x62: {  	_ =	shalt  }
0x63: {  	_ =	shalt  }
0x64: {  	_ =	shalt  }
0x65: {  	_ =	shalt  }
0x66: {  	_ =	shalt  }
0x67: {  	_ =	shalt  }
0x68: {  	_ =	shalt  }
0x69: {  	_ =	shalt  }
0x6a: {  	_ =	shalt  }
0x6b: {  	_ =	shalt  }
0x6c: {  	_ =	shalt  }
0x6d: {  	_ =	shalt  }
0x6e: {  	_ =	shalt  }
0x6f: {  	_ =	shalt  }
0x70: {  	_ =	shalt  }
0x71: {  	_ =	shalt  }
0x72: {  	_ =	shalt  }
0x73: {  	_ =	shalt  }
0x74: {  	_ =	shalt  }
0x75: {  	_ =	shalt  }
0x76: {  	_ =	shalt  }
0x77: {  	_ =	shalt  }
0x78: {  	_ =	shalt  }
0x79: {  	_ =	shalt  }
0x7a: {  	_ =	shalt  }
0x7b: {  	_ =	shalt  }
0x7c: {  	_ =	shalt  }
0x7d: {  	_ =	shalt  }
0x7e: {  	_ =	shalt  }
0x7f: {  	_ =	shalt  }
0x80: {  	_ =	shalt  }
0x81: {  	_ =	shalt  }
0x82: {  	_ =	shalt  }
0x83: {  	_ =	shalt  }
0x84: {  	_ =	shalt  }
0x85: {  	_ =	shalt  }
0x86: {  	_ =	shalt  }
0x87: {  	_ =	shalt  }
.Lfunc_end0:
.L_simem_size_0:
called_computation_lowered:
.L_overlay_start_0:
0x88: {  	s2 =	sld [smem:$0x3FD9]  }
0x89: {  	s3 =	sld [smem:$0x3FFE];
	_ =	sdelay $0x1  }
0x8a: {  	s1 =	srdreg.scid  }
0x8b: {  	s0 =	sand.u32 $0x1, s1  }
0x8c: {  	s16 =	sshll.u32 s0, $0xA;
	s2 =	sadd.s32 s3, s2  }
0x8d: {  	s2 =	sadd.s32 s2, s16  }
0x8e: {  	[smem:$0x3FC0] =	sst s2  }
0x8f: {  	_ = 	snop  }
0x90: {  	(tm) =	ssettm $0x1  }
0x91: {  	s17 =	sld [smem:$0x3FFB];
	_ =	sdelay $0x3  }
0x92: {  	_ =	strace s17  }
0x93: {  	s2 =	sld [smem:$0x3FFC];
	_ =	sdelay $0x3  }
0x94: {  	_ =	strace s2  }
0x95: {  	s2 =	sld [smem:$0x3FFD];
	_ =	sdelay $0x3  }
0x96: {  	_ =	strace s2  }
0x97: {  	_ =	strace $0x8FFFFFFF  }
0x98: {  	s18 =	sld [smem:$0x3FDB];
	_ =	sdelay $0x1  }
0x99: {  	s19 =	simm.s32 $_scs_section_size  }
0x9a: {  	s4 =	simm.s32 $_size__tile_overlayer_lowered;
	s5 =	simm.s32 $_tile_overlayer_lowered  }
0x9b: {  	s22 =	simm.s32 $0x1BFF;
	s21 =	sshll.u32 s5, $0x1;
	s2 =	sadd.s32 s19, s18  }
0x9c: {  	s6 =	simm.s32 $0x0;
	s20 =	sshll.u32 s4, $0x1;
	s4 =	sadd.s32 s21, s2  }
0x9d: {  	[timem:s6], [sflag:s22] =	dma.local [hbm:s4], s20  }
0x9e: {  	_ =	swait.ge [sflag:s22], s20  }
0x9f: {  	s3 =	ssub.s32 $0x0, s20;
	[sflag:s22] =	ssyncset.done $0x0  }
0xa0: {  	[sflag:s22] =	ssyncadd.s32 s3;
	_ =	sdelay $0x1  }
0xa1: {  	s23 =	simm.s32 $0x1B8B  }
0xa2: {  	_ =	swait.ge [sflag:s23], $0x1  }
0xa3: {  	[sflag:s23] =	ssyncset.done $0x0  }
0xa4: {  	s25 =	simm.s32 $0x1B8E;
	s24 =	sld [smem:$0x3FFE];
	[sflag:s23] =	ssyncadd.s32 $0xFFFFFFFF  }
0xa5: {  	s26 =	simm.s32 $execute0_lowered;
	[smem:$0x3FD2] =	sst s25  }
0xa6: {  	s4 =	sshll.u32 s26, $0x1;
	_ =	strace $0x80000046;
	[dreg:$0x1] =	wrdreg $0xFFFFFFFF  }
0xa7: {  	s28 =	simm.s32 $_size_execute0_lowered;
	s2 =	sadd.s32 s2, s4;
	[dreg:$0x0] =	wrdreg $0x0  }
0xa8: {  	s4 =	sshll.u32 s28, $0x1;
	[dreg:$0x2] =	wrdreg s2  }
0xa9: {  	[dreg:$0x3] =	wrdreg s4  }
0xaa: {  	[dreg:$0x4] =	wrdreg $0xC0  }
0xab: {  	_ =	task [dreg:s6], $0x5FFFF  }
0xac: {  	[dreg:$0x1] =	wrdreg $0xFFFFFFFF  }
0xad: {  	[dreg:$0x0] =	wrdreg $0x60  }
0xae: {  	[dreg:$0x2] =	wrdreg s24  }
0xaf: {  	[dreg:$0x3] =	wrdreg $0x0  }
0xb0: {  	[dreg:$0x4] =	wrdreg $0x9  }
0xb1: {  	_ =	task.clear_ibuf [dreg:s6], $0x5FFFF;
	_ =	strace $0x90000046  }
0xb2: {  	s29 =	simm.s32 $0x9;
	_ =	strace $0x80000048  }
0xb3: {  	_ =	swait.ge [sflag:s29], $0x1  }
0xb4: {  	[sflag:s29] =	ssyncadd.s32 $0xFFFFFFFF  }
0xb5: {  	_ =	strace $0x90000048  }
0xb6: {  	_ =	sfence  }
0xb7: {  	s30 =	sld [smem:$0x0];
	_ =	sdelay $0x2  }
0xb8: {  	s31 =	sshll.u32 s1, $0xD;
	s1 =	sshrl.u32 s1, $0x2  }
0xb9: {  	s3 =	sand.u32 $0x4000, s31;
	s1 =	sadd.s32 s1, s30  }
0xba: {  	s0 =	sor.u32 s3, s0;
	s1 =	sshll.u32 s1, $0x11  }
0xbb: {  	s0 =	sor.u32 s1, s0  }
0xbc: {  	s0 =	sadd.s32 $0x8F2B, s0  }
0xbd: {  	[sflag:s0] =	ssyncadd.remote.s32 $0x1  }
0xbe: {  	_ =	sfence.sel $0xFFFF  }
0xbf: {  	[dreg:$0x0] =	wrdreg $0xFFFFFFFF;
	(pc) =	sbr.abs _section_cstart, $3  }
0xc0: {  	[dreg:$0x1] =	wrdreg $0xFFFFFFFF  }
0xc1: {  	_ =	task.clear_ibuf [dreg:s6], $0x2FFFF;
	_ =	strace $0x9FFFFFFF  }
0xc2: {  	(tm) =	ssettm $0x7FFFFFFF  }
0xc3: {  	_ =	shalt  }
tec
execute0_lowered:
.L_overlay_start_1:
0x0: {  	(tag) =	ssettag $0x1  }
0x1: {  	s0 =	srdreg.scid  }
0x2: {  	s1 =	rddreg [dreg:$0x0];
	s6 =	stileid.u32  }
0x3: {  	s2 =	rddreg [dreg:$0x1];
	s3 =	simm.s32 $0x0;
	s8 =	simm.s32 $0x8E80  }
0x4: {  	s9 =	simm.s32 $0x2;
	s10 =	simm.s32 $0x6680;
	s11 =	simm.s32 $0x3E8  }
0x5: {  	s12 =	simm.s32 $0x2800;
	s16 =	simm.s32 $0x9E20;
	s17 =	simm.s32 $0xA208  }
0x6: {  	s18 =	simm.s32 $0xA5F0;
	s19 =	simm.s32 $0xA9D8;
	s20 =	simm.s32 $0xADC0  }
0x7: {  	s21 =	simm.s32 $0xB1A8;
	s22 =	simm.s32 $0xB590;
	s23 =	simm.s32 $0xB978  }
0x8: {  	s24 =	simm.s32 $0xBD60;
	s28 =	simm.s32 $0xC918;
	s5 =	smul.u32 $0x4E20, s6  }
0x9: {  	s29 =	simm.s32 $0xCD00;
	s0 =	sand.u32 $0x1, s0;
	s6 =	smul.u32 $0x2800, s6  }
0xa: {  	s30 =	simm.s32 $0xD0E8;
	s31 =	simm.s32 $0xD4D0;
	s4 =	smul.u32 $0x4E200, s0  }
0xb: {  	[smem:$0x7FF] =	sst s3;
	s7 =	smul.u32 $0x28000, s0;
	s0 =	ssub.s32 $0x2, s0  }
0xc: {  	s13 =	simm.s32 $0x0;
	_ =	strace $0x80000047;
	s26 =	sshrl.u32 s0, $0x1  }
0xd: {  	s4 =	sadd.s32 s5, s4;
	s25 =	sadd.s32 s6, s7;
	s0 =	ssub.s32 s0, s26  }
0xe: {  	s26 =	simm.s32 $0xC530;
	s4 =	sshrl.u32 s4, $0x3;
	s5 =	sshrl.u32 s25, $0x3  }
0xf: {  	s7 =	smax.u32 s0, $0x1;
	s25 =	simm.s32 $0xC148;
	s0 =	simm.s32 $0x1  }
0x10: {  	s4 =	sadd.s32 s4, s1;
	s1 =	sadd.s32 s5, s1;
	s5 =	sadd.s32 s6, s2  }
0x11: {  	v0 =	vimm.f32 $1.000000000e+00;
	v1 =	vimm.f32 $0.0e+00;
	s4 =	sadd.s32 $0x2000, s4;
	s6 =	sadd.s32 $0x15A00, s1;
	s1 =	simm.s32 $0xD8B8  }
.LBB2_1:
0x12: {  	[tilespmem:s8], [sflag:$0x2] =	stream.linear.gather [hbm4b:s4+s3], $0x4E20, $0x38;
	[tilespmem:$0xDCA0] =	vst v63  }
0x13: {  	_ =	swait.ge [sflag:s9], $0x4E20  }
0x14: {  	[sflag:s9] =	ssyncset.done $0x0  }
0x15: {  	s14 =	simm.s32 $0x0;
	[sflag:s9] =	ssyncadd.s32 $0xFFFFB1E0  }
.LBB2_2:
0x16: {  	p0 =	sne.s32 s14, $0xF9C0  }
.Ltmp0:
0x17: {  	_ = 	snop;
	(pc) =	sbr.rel @p0 .LBB2_2-.Ltmp0, $3  }
0x18: {  	_ =	sdelay $0x1  }
0x19: {  	s15 =	sshra.s32 s14, $0x2  }
0x1a: {  	s14 =	sadd.s32 $0x40, s14;
	[tilespmem:s15+$0x2800] =	vst v0  }
0x1b: {  	s14 =	simm.s32 $0x40;
	s15 =	simm.s32 $0x0  }
.LBB2_4:
0x1c: {  	p0 =	sne.s32 s14, $0x9FC0;
	[tilespmem:s15+$0x6680] =	vst v1;
	s15 =	smov.u32 s14;
	s14 =	sadd.s32 $0x40, s14  }
.Ltmp1:
0x1d: {  	(pc) =	sbr.rel @p0 .LBB2_4-.Ltmp1, $2  }
0x1e: {  	_ =	sdelay $0x2  }
0x1f: {  	s15 =	sshra.s32 s15, $0x2  }
0x20: {  	[tilespmem:s15+$0x6680] =	vst v1  }
0x21: {  	[spmem:s5] =	stream.linear.scatter [tilespmem:s10], [sflag:$0x2], $0x2800, $0x38;
	[tilespmem:$0xDCA0] =	vst v63  }
0x22: {  	_ =	swait.ge [sflag:s9], $0x2800  }
0x23: {  	[sflag:s9] =	ssyncset.done $0x0  }
0x24: {  	[sflag:s9] =	ssyncadd.s32 $0xFFFFD800  }
0x25: {  	[bflag:$0x0] =	sbarrier.arrive $0xFFFF  }
0x26: {  	[spmem:s2] =	stream.indirect.scatter.add.f32 [tilespmem:s12], [sflag:$0x1], $0x10, s8, s11, $0xb8;
	[tilespmem:$0xDCA0] =	vst v63  }
0x27: {  	s14 =	simm.s32 $0x9268  }
0x28: {  	[spmem:s2] =	stream.indirect.scatter.add.f32 [tilespmem:s12], [sflag:$0x1], $0x10, s14, s11, $0xb8;
	[tilespmem:$0xDCA0] =	vst v63  }
0x29: {  	s15 =	simm.s32 $0x9650  }
0x2a: {  	[spmem:s2] =	stream.indirect.scatter.add.f32 [tilespmem:s12], [sflag:$0x1], $0x10, s15, s11, $0xb8;
	[tilespmem:$0xDCA0] =	vst v63  }
0x2b: {  	s15 =	simm.s32 $0x9A38  }
0x2c: {  	[spmem:s2] =	stream.indirect.scatter.add.f32 [tilespmem:s12], [sflag:$0x1], $0x10, s15, s11, $0xb8;
	[tilespmem:$0xDCA0] =	vst v63  }
0x2d: {  	_ = 	snop  }
0x2e: {  	[spmem:s2] =	stream.indirect.scatter.add.f32 [tilespmem:s12], [sflag:$0x1], $0x10, s16, s11, $0xb8;
	[tilespmem:$0xDCA0] =	vst v63  }
0x2f: {  	_ = 	snop  }
0x30: {  	[spmem:s2] =	stream.indirect.scatter.add.f32 [tilespmem:s12], [sflag:$0x1], $0x10, s17, s11, $0xb8;
	[tilespmem:$0xDCA0] =	vst v63  }
0x31: {  	_ = 	snop  }
0x32: {  	[spmem:s2] =	stream.indirect.scatter.add.f32 [tilespmem:s12], [sflag:$0x1], $0x10, s18, s11, $0xb8;
	[tilespmem:$0xDCA0] =	vst v63  }
0x33: {  	_ = 	snop  }
0x34: {  	[spmem:s2] =	stream.indirect.scatter.add.f32 [tilespmem:s12], [sflag:$0x1], $0x10, s19, s11, $0xb8;
	[tilespmem:$0xDCA0] =	vst v63  }
0x35: {  	_ = 	snop  }
0x36: {  	[spmem:s2] =	stream.indirect.scatter.add.f32 [tilespmem:s12], [sflag:$0x1], $0x10, s20, s11, $0xb8;
	[tilespmem:$0xDCA0] =	vst v63  }
0x37: {  	_ = 	snop  }
0x38: {  	[spmem:s2] =	stream.indirect.scatter.add.f32 [tilespmem:s12], [sflag:$0x1], $0x10, s21, s11, $0xb8;
	[tilespmem:$0xDCA0] =	vst v63  }
0x39: {  	_ = 	snop  }
0x3a: {  	[spmem:s2] =	stream.indirect.scatter.add.f32 [tilespmem:s12], [sflag:$0x1], $0x10, s22, s11, $0xb8;
	[tilespmem:$0xDCA0] =	vst v63  }
0x3b: {  	_ = 	snop  }
0x3c: {  	[spmem:s2] =	stream.indirect.scatter.add.f32 [tilespmem:s12], [sflag:$0x1], $0x10, s23, s11, $0xb8;
	[tilespmem:$0xDCA0] =	vst v63  }
0x3d: {  	_ = 	snop  }
0x3e: {  	[spmem:s2] =	stream.indirect.scatter.add.f32 [tilespmem:s12], [sflag:$0x1], $0x10, s24, s11, $0xb8;
	[tilespmem:$0xDCA0] =	vst v63  }
0x3f: {  	_ = 	snop  }
0x40: {  	[spmem:s2] =	stream.indirect.scatter.add.f32 [tilespmem:s12], [sflag:$0x1], $0x10, s25, s11, $0xb8;
	[tilespmem:$0xDCA0] =	vst v63  }
0x41: {  	_ = 	snop  }
0x42: {  	[spmem:s2] =	stream.indirect.scatter.add.f32 [tilespmem:s12], [sflag:$0x1], $0x10, s26, s11, $0xb8;
	[tilespmem:$0xDCA0] =	vst v63  }
0x43: {  	_ = 	snop  }
0x44: {  	[spmem:s2] =	stream.indirect.scatter.add.f32 [tilespmem:s12], [sflag:$0x1], $0x10, s28, s11, $0xb8;
	[tilespmem:$0xDCA0] =	vst v63  }
0x45: {  	_ = 	snop  }
0x46: {  	[spmem:s2] =	stream.indirect.scatter.add.f32 [tilespmem:s12], [sflag:$0x1], $0x10, s29, s11, $0xb8;
	[tilespmem:$0xDCA0] =	vst v63  }
0x47: {  	_ = 	snop  }
0x48: {  	[spmem:s2] =	stream.indirect.scatter.add.f32 [tilespmem:s12], [sflag:$0x1], $0x10, s30, s11, $0xb8;
	[tilespmem:$0xDCA0] =	vst v63  }
0x49: {  	_ = 	snop  }
0x4a: {  	[spmem:s2] =	stream.indirect.scatter.add.f32 [tilespmem:s12], [sflag:$0x1], $0x10, s31, s11, $0xb8;
	[tilespmem:$0xDCA0] =	vst v63  }
0x4b: {  	_ = 	snop  }
0x4c: {  	[spmem:s2] =	stream.indirect.scatter.add.f32 [tilespmem:s12], [sflag:$0x1], $0x10, s1, s11, $0xb8;
	[tilespmem:$0xDCA0] =	vst v63  }
0x4d: {  	_ =	swait.ge [sflag:s0], $0x3E80  }
0x4e: {  	[sflag:s0] =	ssyncset.done $0x0  }
0x4f: {  	[sflag:s0] =	ssyncadd.s32 $0xFFFFC180  }
0x50: {  	_ =	swait.ge [sflag:s0], $0x3E80  }
0x51: {  	[sflag:s0] =	ssyncset.done $0x0  }
0x52: {  	[sflag:s0] =	ssyncadd.s32 $0xFFFFC180  }
0x53: {  	_ =	swait.ge [sflag:s0], $0x3E80  }
0x54: {  	[sflag:s0] =	ssyncset.done $0x0  }
0x55: {  	[sflag:s0] =	ssyncadd.s32 $0xFFFFC180  }
0x56: {  	_ =	swait.ge [sflag:s0], $0x3E80  }
0x57: {  	[sflag:s0] =	ssyncset.done $0x0  }
0x58: {  	[sflag:s0] =	ssyncadd.s32 $0xFFFFC180  }
0x59: {  	_ =	swait.ge [sflag:s0], $0x3E80  }
0x5a: {  	[sflag:s0] =	ssyncset.done $0x0  }
0x5b: {  	[sflag:s0] =	ssyncadd.s32 $0xFFFFC180  }
0x5c: {  	_ =	swait.ge [sflag:s0], $0x3E80  }
0x5d: {  	[sflag:s0] =	ssyncset.done $0x0  }
0x5e: {  	[sflag:s0] =	ssyncadd.s32 $0xFFFFC180  }
0x5f: {  	_ =	swait.ge [sflag:s0], $0x3E80  }
0x60: {  	[sflag:s0] =	ssyncset.done $0x0  }
0x61: {  	[sflag:s0] =	ssyncadd.s32 $0xFFFFC180  }
0x62: {  	_ =	swait.ge [sflag:s0], $0x3E80  }
0x63: {  	[sflag:s0] =	ssyncset.done $0x0  }
0x64: {  	[sflag:s0] =	ssyncadd.s32 $0xFFFFC180  }
0x65: {  	_ =	swait.ge [sflag:s0], $0x3E80  }
0x66: {  	[sflag:s0] =	ssyncset.done $0x0  }
0x67: {  	[sflag:s0] =	ssyncadd.s32 $0xFFFFC180  }
0x68: {  	_ =	swait.ge [sflag:s0], $0x3E80  }
0x69: {  	[sflag:s0] =	ssyncset.done $0x0  }
0x6a: {  	[sflag:s0] =	ssyncadd.s32 $0xFFFFC180  }
0x6b: {  	_ =	swait.ge [sflag:s0], $0x3E80  }
0x6c: {  	[sflag:s0] =	ssyncset.done $0x0  }
0x6d: {  	[sflag:s0] =	ssyncadd.s32 $0xFFFFC180  }
0x6e: {  	_ =	swait.ge [sflag:s0], $0x3E80  }
0x6f: {  	[sflag:s0] =	ssyncset.done $0x0  }
0x70: {  	[sflag:s0] =	ssyncadd.s32 $0xFFFFC180  }
0x71: {  	_ =	swait.ge [sflag:s0], $0x3E80  }
0x72: {  	[sflag:s0] =	ssyncset.done $0x0  }
0x73: {  	[sflag:s0] =	ssyncadd.s32 $0xFFFFC180  }
0x74: {  	_ =	swait.ge [sflag:s0], $0x3E80  }
0x75: {  	[sflag:s0] =	ssyncset.done $0x0  }
0x76: {  	[sflag:s0] =	ssyncadd.s32 $0xFFFFC180  }
0x77: {  	_ =	swait.ge [sflag:s0], $0x3E80  }
0x78: {  	[sflag:s0] =	ssyncset.done $0x0  }
0x79: {  	[sflag:s0] =	ssyncadd.s32 $0xFFFFC180  }
0x7a: {  	_ =	swait.ge [sflag:s0], $0x3E80  }
0x7b: {  	[sflag:s0] =	ssyncset.done $0x0  }
0x7c: {  	[sflag:s0] =	ssyncadd.s32 $0xFFFFC180  }
0x7d: {  	_ =	swait.ge [sflag:s0], $0x3E80  }
0x7e: {  	[sflag:s0] =	ssyncset.done $0x0  }
0x7f: {  	[sflag:s0] =	ssyncadd.s32 $0xFFFFC180  }
0x80: {  	_ =	swait.ge [sflag:s0], $0x3E80  }
0x81: {  	[sflag:s0] =	ssyncset.done $0x0  }
0x82: {  	[sflag:s0] =	ssyncadd.s32 $0xFFFFC180  }
0x83: {  	_ =	swait.ge [sflag:s0], $0x3E80  }
0x84: {  	[sflag:s0] =	ssyncset.done $0x0  }
0x85: {  	[sflag:s0] =	ssyncadd.s32 $0xFFFFC180  }
0x86: {  	_ =	swait.ge [sflag:s0], $0x3E80  }
0x87: {  	[sflag:s0] =	ssyncset.done $0x0  }
0x88: {  	[sflag:s0] =	ssyncadd.s32 $0xFFFFC180  }
0x89: {  	[bflag:$0x0] =	sbarrier.arrive $0xFFFF  }
0x8a: {  	[tilespmem:s10], [sflag:$0x2] =	stream.linear.gather [spmem:s5], $0x2800, $0x38;
	[tilespmem:$0xDCA0] =	vst v63  }
0x8b: {  	s13 =	sadd.s32 $0x1, s13;
	_ =	swait.ge [sflag:s9], $0x2800  }
0x8c: {  	p0 =	sne.s32 s13, s7;
	[sflag:s9] =	ssyncset.done $0x0  }
.Ltmp2:
0x8d: {  	[sflag:s9] =	ssyncadd.s32 $0xFFFFD800;
	(pc) =	sbr.rel @p0 .LBB2_1-.Ltmp2, $4  }
0x8e: {  	[hbm4b:s6+s3] =	stream.linear.scatter [tilespmem:s10], [sflag:$0x2], $0x2800, $0x38;
	[tilespmem:$0xDCA0] =	vst v63  }
0x8f: {  	_ =	swait.ge [sflag:s9], $0x2800  }
0x90: {  	[sflag:s9] =	ssyncset.done $0x0  }
0x91: {  	[sflag:s9] =	ssyncadd.s32 $0xFFFFD800  }
0x92: {  	_ =	sfence.sel $0x180000  }
0x93: {  	[bflag:$0x0] =	sbarrier.arrive $0xFFFF  }
0x94: {  	_ =	strace $0x90000047  }
0x95: {  	s0 =	stileid.u32;
	[bflag:$0x2] =	sbarrier.arrive $0xFFFF  }
0x96: {  	p0 =	sne.s32 s0, $0x0;
	s0 =	rddreg [dreg:$0x2]  }
0x97: {  	s0 =	sadd.s32 @!p0 $0x100000, s0  }
0x98: {  	[sflag:s0] =	ssyncadd.tile.s32 @!p0 $0x1;
	_ =	shalt  }
.Lfunc_end2:
_tile_overlayer_lowered:
.L_overlay_start_2:
0x99: {  	(tag) =	ssettag $0x2  }
0x9a: {  	s0 =	rddreg [dreg:$0x0];
	s2 =	stileid.u32  }
0x9b: {  	s1 =	rddreg [dreg:$0x1];
	p0 =	sne.s32 s2, $0x0  }
0x9c: {  	s3 =	rddreg [dreg:$0x2];
	[bflag:$0x3] =	sbarrier.arrive $0xFFFF;
	s2 =	simm.s32 @!p0 $0x1C02  }
0x9d: {  	[timem:s3], [sflag:s2] =	dma.local @!p0 [hbm:s0], s1  }
0x9e: {  	s0 =	simm.s32 @!p0 $0x2  }
0x9f: {  	_ =	swait.ge @!p0 [sflag:s0], s1  }
0xa0: {  	s1 =	ssub.s32 @!p0 $0x0, s1;
	[sflag:s0] =	ssyncset.done @!p0 $0x0  }
0xa1: {  	[sflag:s0] =	ssyncadd.s32 @!p0 s1  }
0xa2: {  	[bflag:$0x3] =	sbarrier.arrive $0xFFFF  }
0xa3: {  	_ =	shalt  }

</sc_bundles>
